<compile_context>
chip_gen: v7x
topology: tpu7x:2x2x1
jax: 0.10.2.dev20260603
libtpu: 0.0.44.dev20260713+nightly
codegen_flags: <defaults>
</compile_context>

<pallas_src>
import functools

import jax
import jax.numpy as jnp
from jax import lax
from jax.experimental import pallas as pl
from jax.experimental.pallas import tpu as pltpu
from jax.experimental.pallas import tpu_sc as plsc

NSC = 3
NB = 8
NA = 4
NC = 80
NG = 52
NT = 8
CH = 5 + NC
MAPW = 5 * 56 * 128


def _scatter_body(t0_hbm, maps_hbm, tbuf, mapbuf, sem):
    wid = lax.axis_index("s") * 2 + lax.axis_index("c")

    @pl.when(wid < NB)
    def _():
        pltpu.sync_copy(t0_hbm.at[wid], tbuf)

        def _zero(i, carry):
            for j in range(8):
                mapbuf[pl.ds(i * 128 + j * 16, 16)] = jnp.zeros(
                    (16,), jnp.float32)
            return carry
        lax.fori_loop(0, MAPW // 128, _zero, 0)

        gx = tbuf[pl.ds(0, 16)] * NG
        gy = tbuf[pl.ds(16, 16)] * NG
        gi = gx.astype(jnp.int32)
        gj = gy.astype(jnp.int32)
        tx = gx - gi.astype(jnp.float32)
        ty = gy - gj.astype(jnp.float32)
        tw = tbuf[pl.ds(32, 16)]
        th = tbuf[pl.ds(48, 16)]
        cell = (gj >> 3) * 1024 + (gj & 7) * 128 + gi
        lane = lax.iota(jnp.int32, 16)
        ones = jnp.ones((16,), jnp.float32)
        for t in range(NT):
            c = cell[t]
            for k, vec in ((0, tx), (1, ty), (2, tw), (3, th),
                           (4, ones)):
                off = c + k * (56 * 128)
                v = mapbuf[pl.ds(off, 16)]
                mapbuf[pl.ds(off, 16)] = jnp.where(lane == 0, vec[t], v)
        pltpu.sync_copy(mapbuf, maps_hbm.at[wid])


def _sc_build_maps(t0_flat):
    mesh = plsc.VectorSubcoreMesh(core_axis_name="c", subcore_axis_name="s")
    run = functools.partial(
        pl.kernel,
        out_type=jax.ShapeDtypeStruct((NB, MAPW), jnp.float32),
        mesh=mesh,
        scratch_types=[
            pltpu.VMEM((4 * 16,), jnp.float32),
            pltpu.VMEM((MAPW,), jnp.float32),
            pltpu.SemaphoreType.DMA,
        ],
    )(_scatter_body)
    return run(t0_flat)


def _loss_body(maps_ref, x_ref, out_ref):
    i = pl.program_id(0)
    a = pl.program_id(1)

    x = x_ref[0, 0]
    e = jnp.exp(x)
    tmaps = maps_ref[0, 0:4, 0:NG, 0:NG]
    om = maps_ref[0, 4:5, 0:NG, 0:NG]

    d = x[0:4] - tmaps
    acc = jnp.sum(d * d)
    acc += jnp.sum(jnp.log1p(e[4:5]) - om * x[4:5])
    rows = jax.lax.broadcasted_iota(jnp.int32, (CH, 1, 1), 0)
    s = jnp.sum(jnp.where(rows >= 5, e, 0.0), axis=0)
    acc += jnp.sum(jnp.log(s)) - jnp.sum(x[5:6])

    @pl.when((i == 0) & (a == 0))
    def _():
        out_ref[...] = jnp.zeros_like(out_ref)
    out_ref[...] += acc
    @pl.when((i == NSC * NB - 1) & (a == NA - 1))
    def _():
        out_ref[...] = out_ref[...] * (1.0 / NB)


@jax.jit
def kernel(preds, targets):
    t0 = jnp.zeros((NB, 4, 16), jnp.float32).at[:, :, :NT].set(
        targets[:, 0].transpose(0, 2, 1)).reshape(NB, 64)
    maps = _sc_build_maps(t0).reshape(NB, 5, 56, 128)
    out = pl.pallas_call(
        _loss_body,
        grid=(NSC * NB, NA),
        in_specs=[
            pl.BlockSpec((1, 5, 56, 128), lambda i, a: (i % NB, 0, 0, 0)),
            pl.BlockSpec((1, 1, CH, NG, NG),
                         lambda i, a: (i // NB, i % NB, a, 0, 0)),
        ],
        out_specs=pl.BlockSpec((1, 1), lambda i, a: (0, 0)),
        out_shape=jax.ShapeDtypeStruct((1, 1), jnp.float32),
    )(maps, preds)
    return out[0, 0]

# --- scband reference (transcript-rebuilt; emitter-appended) ---
"""Pipeline reference for scband-yololoss-8675833938056 (READ-ONLY COPY).

The authoritative reference and input builder live on the scoring server;
editing this copy changes nothing except your own understanding.
"""

import jax, jax.numpy as jnp
import numpy as np

SC = 3   # number of prediction scales
B = 8    # batch
A = 4    # numAnchors
C = 80   # numClasses
G = 52   # gridSize
T = 8    # targets per image


def setup_inputs(seed: int = 0) -> dict:
    key = jax.random.key(seed)
    k1, k2 = jax.random.split(key)
    preds = jax.random.normal(k1, (SC, B, A * (5 + C), G, G), dtype=jnp.float32)
    targets = jax.random.uniform(k2, (B, 3, T, 4), dtype=jnp.float32)
    return {"preds": preds, "targets": targets}


def _bce_logits_sum(x, z):
    return jnp.sum(jnp.maximum(x, 0.0) - x * z + jnp.log1p(jnp.exp(-jnp.abs(x))))


def _ce_sum(logits, tgt):
    lse = jax.scipy.special.logsumexp(logits, axis=1)
    picked = jnp.take_along_axis(logits, tgt[:, None], axis=1)[:, 0]
    return jnp.sum(lse - picked)


def reference(preds, targets):
    gi_all = (targets[:, 0, :, 0] * G).astype(jnp.int32)
    gj_all = (targets[:, 0, :, 1] * G).astype(jnp.int32)

    obj_targets = jnp.zeros((B, A, 1, G, G), dtype=jnp.float32)
    class_targets = jnp.zeros((B, A, G, G), dtype=jnp.int32)
    for b in range(B):
        for t in range(T):
            gi = gi_all[b, t]
            gj = gj_all[b, t]
            obj_targets = obj_targets.at[b, :, 0, gj, gi].set(1.0)
            class_targets = class_targets.at[b, :, gj, gi].set(
                jnp.floor(targets[b, 2, t]).astype(jnp.int32)
            )

    bbox_targets = jnp.zeros((B, A, 4, G, G), dtype=jnp.float32)
    for b in range(B):
        for t in range(T):
            gi = gi_all[b, t]
            gj = gj_all[b, t]
            gx = targets[b, 0, t, 0] * G
            gy = targets[b, 0, t, 1] * G
            gw = targets[b, 0, t, 2]
            gh = targets[b, 0, t, 3]
            bbox_targets = bbox_targets.at[b, :, 0, gj, gi].set(gx - gi.astype(jnp.float32))
            bbox_targets = bbox_targets.at[b, :, 1, gj, gi].set(gy - gj.astype(jnp.float32))
            bbox_targets = bbox_targets.at[b, :, 2, gj, gi].set(gw)
            bbox_targets = bbox_targets.at[b, :, 3, gj, gi].set(gh)

    total = jnp.float32(0.0)
    for s in range(SC):
        pred = preds[s].reshape(B, A, -1, G, G)
        bbox_pred = pred[:, :, :4, :, :]
        obj_pred = pred[:, :, 4:5, :, :]
        class_pred = pred[:, :, 5:, :, :]
        bbox_loss = jnp.sum((bbox_pred - bbox_targets) ** 2)
        obj_loss = _bce_logits_sum(obj_pred, obj_targets)
        class_loss = _ce_sum(class_pred.reshape(-1, C), class_targets.reshape(-1))
        total = total + bbox_loss + obj_loss + class_loss
    return total / B

if __name__ == "__main__":
    import jax
    _d = setup_inputs()
    print(jax.jit(kernel)(*tuple(_d.values())))

</pallas_src>

<mosaic_0001>
#map = affine_map<(d0, d1) -> (0, 0)>
module attributes {stable_mosaic.version = 14 : i64} {
  func.func @_scatter_body(%arg0: i32, %arg1: i32, %arg2: memref<8x64xf32, #tpu.memory_space<hbm>>, %arg3: memref<8x35840xf32, #tpu.memory_space<hbm>>, %arg4: memref<64xf32, #tpu.memory_space<vmem>>, %arg5: memref<35840xf32, #tpu.memory_space<vmem>>, %arg6: memref<!tpu.dma_semaphore, #tpu.memory_space<semaphore_mem>>) attributes {dimension_semantics = [#tpu.dimension_semantics<core_parallel>, #tpu.dimension_semantics<subcore_parallel>], iteration_bounds = array<i64: 2, 16>, scalar_prefetch = 0 : i64, scratch_operands = 3 : i64, tpu.core_type = #tpu.core_type<sc_vector_subcore>, window_params = [{transform_indices = #map}, {transform_indices = #map}]} {
    %mul3A = arith.constant 2 : i32
    %mul3A_0 = arith.muli %arg1, %mul3A : i32
    %add3A = arith.addi %mul3A_0, %arg0 : i32
    %lt3A = arith.constant 8 : i32
    %lt3A_1 = arith.cmpi slt, %add3A, %lt3A : i32
    %convert_element_type3A = arith.extui %lt3A_1 : i1 to i32
    %cond3A = arith.constant 0 : i32
    %cond3A_2 = arith.cmpi ne, %convert_element_type3A, %cond3A : i32
    scf.if %cond3A_2 {
      "tpu.region"() ({
        %run_scoped3A = tpu.sem_alloc : memref<!tpu.dma_semaphore, #tpu.memory_space<semaphore_mem>>
        %dma_start3A = arith.constant 0 : i32
        %dma_start3A_694 = tpu.memref_slice %arg2[%add3A, %dma_start3A] : memref<8x64xf32, #tpu.memory_space<hbm>> -> memref<1x64xf32, #tpu.memory_space<hbm>>
        %dma_start3A_695 = tpu.memref_squeeze %dma_start3A_694 : memref<1x64xf32, #tpu.memory_space<hbm>> -> memref<64xf32, #tpu.memory_space<hbm>>
        %dma_start3A_696 = arith.constant 0 : i32
        %dma_start3A_697 = tpu.memref_slice %arg2[%add3A, %dma_start3A_696] : memref<8x64xf32, #tpu.memory_space<hbm>> -> memref<1x64xf32, #tpu.memory_space<hbm>>
        %dma_start3A_698 = tpu.memref_squeeze %dma_start3A_697 : memref<1x64xf32, #tpu.memory_space<hbm>> -> memref<64xf32, #tpu.memory_space<hbm>>
        tpu.enqueue_dma source(%dma_start3A_698 : memref<64xf32, #tpu.memory_space<hbm>>) target(%arg4 : memref<64xf32, #tpu.memory_space<vmem>>) target_semaphore(%run_scoped3A : memref<!tpu.dma_semaphore, #tpu.memory_space<semaphore_mem>>)
        %dma_wait3A = arith.constant 0 : i32
        %dma_wait3A_699 = tpu.memref_slice %arg2[%add3A, %dma_wait3A] : memref<8x64xf32, #tpu.memory_space<hbm>> -> memref<1x64xf32, #tpu.memory_space<hbm>>
        %dma_wait3A_700 = tpu.memref_squeeze %dma_wait3A_699 : memref<1x64xf32, #tpu.memory_space<hbm>> -> memref<64xf32, #tpu.memory_space<hbm>>
        %dma_wait3A_701 = arith.constant 0 : i32
        %dma_wait3A_702 = tpu.memref_slice %arg2[%add3A, %dma_wait3A_701] : memref<8x64xf32, #tpu.memory_space<hbm>> -> memref<1x64xf32, #tpu.memory_space<hbm>>
        %dma_wait3A_703 = tpu.memref_squeeze %dma_wait3A_702 : memref<1x64xf32, #tpu.memory_space<hbm>> -> memref<64xf32, #tpu.memory_space<hbm>>
        tpu.wait_dma2 semaphore(%run_scoped3A : memref<!tpu.dma_semaphore, #tpu.memory_space<semaphore_mem>>) src(%dma_wait3A_703 : memref<64xf32, #tpu.memory_space<hbm>>) dst(%arg4 : memref<64xf32, #tpu.memory_space<vmem>>)
        tpu.yield
      }) : () -> ()
      %scan3A = arith.constant 0 : i32
      %scan3A_3 = arith.constant 0 : i32
      %scan3A_4 = arith.constant 280 : i32
      %scan3A_5 = arith.addi %scan3A_3, %scan3A_4 : i32
      %scan3A_6 = arith.constant 1 : i32
      scf.for %scan3A_694 = %scan3A_3 to %scan3A_5 step %scan3A_6  : i32 {
        %broadcast_in_dim3A_695 = arith.constant 0.000000e+00 : f32
        %broadcast_in_dim3A_696 = vector.broadcast %broadcast_in_dim3A_695 : f32 to vector<16xf32>
        %mul3A_697 = arith.constant 128 : i32
        %mul3A_698 = arith.muli %scan3A_694, %mul3A_697 : i32
        %add3A_699 = arith.constant 0 : i32
        %add3A_700 = arith.addi %mul3A_698, %add3A_699 : i32
        %swap3A_701 = arith.index_cast %add3A_700 : i32 to index
        %swap3A_702 = tpu.vector_load %arg5[%swap3A_701] {strides = array<i32>} : memref<35840xf32, #tpu.memory_space<vmem>>, vector<16xf32>,
        %swap3A_703 = vector.shape_cast %swap3A_702 : vector<16xf32> to vector<16xf32>
        %swap3A_704 = vector.shape_cast %broadcast_in_dim3A_696 : vector<16xf32> to vector<16xf32>
        tpu.vector_store %arg5[%swap3A_701], %swap3A_704 {strides = array<i32>} : memref<35840xf32, #tpu.memory_space<vmem>>, vector<16xf32>,
        %broadcast_in_dim3A_705 = arith.constant 0.000000e+00 : f32
        %broadcast_in_dim3A_706 = vector.broadcast %broadcast_in_dim3A_705 : f32 to vector<16xf32>
        %mul3A_707 = arith.constant 128 : i32
        %mul3A_708 = arith.muli %scan3A_694, %mul3A_707 : i32
        %add3A_709 = arith.constant 16 : i32
        %add3A_710 = arith.addi %mul3A_708, %add3A_709 : i32
        %swap3A_711 = arith.index_cast %add3A_710 : i32 to index
        %swap3A_712 = tpu.vector_load %arg5[%swap3A_711] {strides = array<i32>} : memref<35840xf32, #tpu.memory_space<vmem>>, vector<16xf32>,
        %swap3A_713 = vector.shape_cast %swap3A_712 : vector<16xf32> to vector<16xf32>
        %swap3A_714 = vector.shape_cast %broadcast_in_dim3A_706 : vector<16xf32> to vector<16xf32>
        tpu.vector_store %arg5[%swap3A_711], %swap3A_714 {strides = array<i32>} : memref<35840xf32, #tpu.memory_space<vmem>>, vector<16xf32>,
        %broadcast_in_dim3A_715 = arith.constant 0.000000e+00 : f32
        %broadcast_in_dim3A_716 = vector.broadcast %broadcast_in_dim3A_715 : f32 to vector<16xf32>
        %mul3A_717 = arith.constant 128 : i32
        %mul3A_718 = arith.muli %scan3A_694, %mul3A_717 : i32
        %add3A_719 = arith.constant 32 : i32
        %add3A_720 = arith.addi %mul3A_718, %add3A_719 : i32
        %swap3A_721 = arith.index_cast %add3A_720 : i32 to index
        %swap3A_722 = tpu.vector_load %arg5[%swap3A_721] {strides = array<i32>} : memref<35840xf32, #tpu.memory_space<vmem>>, vector<16xf32>,
        %swap3A_723 = vector.shape_cast %swap3A_722 : vector<16xf32> to vector<16xf32>
        %swap3A_724 = vector.shape_cast %broadcast_in_dim3A_716 : vector<16xf32> to vector<16xf32>
        tpu.vector_store %arg5[%swap3A_721], %swap3A_724 {strides = array<i32>} : memref<35840xf32, #tpu.memory_space<vmem>>, vector<16xf32>,
        %broadcast_in_dim3A_725 = arith.constant 0.000000e+00 : f32
        %broadcast_in_dim3A_726 = vector.broadcast %broadcast_in_dim3A_725 : f32 to vector<16xf32>
        %mul3A_727 = arith.constant 128 : i32
        %mul3A_728 = arith.muli %scan3A_694, %mul3A_727 : i32
        %add3A_729 = arith.constant 48 : i32
        %add3A_730 = arith.addi %mul3A_728, %add3A_729 : i32
        %swap3A_731 = arith.index_cast %add3A_730 : i32 to index
        %swap3A_732 = tpu.vector_load %arg5[%swap3A_731] {strides = array<i32>} : memref<35840xf32, #tpu.memory_space<vmem>>, vector<16xf32>,
        %swap3A_733 = vector.shape_cast %swap3A_732 : vector<16xf32> to vector<16xf32>
        %swap3A_734 = vector.shape_cast %broadcast_in_dim3A_726 : vector<16xf32> to vector<16xf32>
        tpu.vector_store %arg5[%swap3A_731], %swap3A_734 {strides = array<i32>} : memref<35840xf32, #tpu.memory_space<vmem>>, vector<16xf32>,
        %broadcast_in_dim3A_735 = arith.constant 0.000000e+00 : f32
        %broadcast_in_dim3A_736 = vector.broadcast %broadcast_in_dim3A_735 : f32 to vector<16xf32>
        %mul3A_737 = arith.constant 128 : i32
        %mul3A_738 = arith.muli %scan3A_694, %mul3A_737 : i32
        %add3A_739 = arith.constant 64 : i32
        %add3A_740 = arith.addi %mul3A_738, %add3A_739 : i32
        %swap3A_741 = arith.index_cast %add3A_740 : i32 to index
        %swap3A_742 = tpu.vector_load %arg5[%swap3A_741] {strides = array<i32>} : memref<35840xf32, #tpu.memory_space<vmem>>, vector<16xf32>,
        %swap3A_743 = vector.shape_cast %swap3A_742 : vector<16xf32> to vector<16xf32>
        %swap3A_744 = vector.shape_cast %broadcast_in_dim3A_736 : vector<16xf32> to vector<16xf32>
        tpu.vector_store %arg5[%swap3A_741], %swap3A_744 {strides = array<i32>} : memref<35840xf32, #tpu.memory_space<vmem>>, vector<16xf32>,
        %broadcast_in_dim3A_745 = arith.constant 0.000000e+00 : f32
        %broadcast_in_dim3A_746 = vector.broadcast %broadcast_in_dim3A_745 : f32 to vector<16xf32>
        %mul3A_747 = arith.constant 128 : i32
        %mul3A_748 = arith.muli %scan3A_694, %mul3A_747 : i32
        %add3A_749 = arith.constant 80 : i32
        %add3A_750 = arith.addi %mul3A_748, %add3A_749 : i32
        %swap3A_751 = arith.index_cast %add3A_750 : i32 to index
        %swap3A_752 = tpu.vector_load %arg5[%swap3A_751] {strides = array<i32>} : memref<35840xf32, #tpu.memory_space<vmem>>, vector<16xf32>,
        %swap3A_753 = vector.shape_cast %swap3A_752 : vector<16xf32> to vector<16xf32>
        %swap3A_754 = vector.shape_cast %broadcast_in_dim3A_746 : vector<16xf32> to vector<16xf32>
        tpu.vector_store %arg5[%swap3A_751], %swap3A_754 {strides = array<i32>} : memref<35840xf32, #tpu.memory_space<vmem>>, vector<16xf32>,
        %broadcast_in_dim3A_755 = arith.constant 0.000000e+00 : f32
        %broadcast_in_dim3A_756 = vector.broadcast %broadcast_in_dim3A_755 : f32 to vector<16xf32>
        %mul3A_757 = arith.constant 128 : i32
        %mul3A_758 = arith.muli %scan3A_694, %mul3A_757 : i32
        %add3A_759 = arith.constant 96 : i32
        %add3A_760 = arith.addi %mul3A_758, %add3A_759 : i32
        %swap3A_761 = arith.index_cast %add3A_760 : i32 to index
        %swap3A_762 = tpu.vector_load %arg5[%swap3A_761] {strides = array<i32>} : memref<35840xf32, #tpu.memory_space<vmem>>, vector<16xf32>,
        %swap3A_763 = vector.shape_cast %swap3A_762 : vector<16xf32> to vector<16xf32>
        %swap3A_764 = vector.shape_cast %broadcast_in_dim3A_756 : vector<16xf32> to vector<16xf32>
        tpu.vector_store %arg5[%swap3A_761], %swap3A_764 {strides = array<i32>} : memref<35840xf32, #tpu.memory_space<vmem>>, vector<16xf32>,
        %broadcast_in_dim3A_765 = arith.constant 0.000000e+00 : f32
        %broadcast_in_dim3A_766 = vector.broadcast %broadcast_in_dim3A_765 : f32 to vector<16xf32>
        %mul3A_767 = arith.constant 128 : i32
        %mul3A_768 = arith.muli %scan3A_694, %mul3A_767 : i32
        %add3A_769 = arith.constant 112 : i32
        %add3A_770 = arith.addi %mul3A_768, %add3A_769 : i32
        %swap3A_771 = arith.index_cast %add3A_770 : i32 to index
        %swap3A_772 = tpu.vector_load %arg5[%swap3A_771] {strides = array<i32>} : memref<35840xf32, #tpu.memory_space<vmem>>, vector<16xf32>,
        %swap3A_773 = vector.shape_cast %swap3A_772 : vector<16xf32> to vector<16xf32>
        %swap3A_774 = vector.shape_cast %broadcast_in_dim3A_766 : vector<16xf32> to vector<16xf32>
        tpu.vector_store %arg5[%swap3A_771], %swap3A_774 {strides = array<i32>} : memref<35840xf32, #tpu.memory_space<vmem>>, vector<16xf32>,
      }
      %scan3A_7 = arith.constant 280 : i32
      %get3A = arith.constant 0 : index
      %get3A_8 = tpu.vector_load %arg4[%get3A] {strides = array<i32>} : memref<64xf32, #tpu.memory_space<vmem>>, vector<16xf32>,
      %get3A_9 = vector.shape_cast %get3A_8 : vector<16xf32> to vector<16xf32>
      %mul3A_10 = arith.constant 5.200000e+01 : f32
      %mul3A_11 = vector.broadcast %mul3A_10 : f32 to vector<16xf32>
      %mul3A_12 = arith.mulf %get3A_9, %mul3A_11 : vector<16xf32>
      %get3A_13 = arith.constant 16 : index
      %get3A_14 = tpu.vector_load %arg4[%get3A_13] {strides = array<i32>} : memref<64xf32, #tpu.memory_space<vmem>>, vector<16xf32>,
      %get3A_15 = vector.shape_cast %get3A_14 : vector<16xf32> to vector<16xf32>
      %mul3A_16 = arith.constant 5.200000e+01 : f32
      %mul3A_17 = vector.broadcast %mul3A_16 : f32 to vector<16xf32>
      %mul3A_18 = arith.mulf %get3A_15, %mul3A_17 : vector<16xf32>
      %convert_element_type3A_19 = arith.fptosi %mul3A_12 : vector<16xf32> to vector<16xi32>
      %convert_element_type3A_20 = arith.fptosi %mul3A_18 : vector<16xf32> to vector<16xi32>
      %convert_element_type3A_21 = arith.sitofp %convert_element_type3A_19 : vector<16xi32> to vector<16xf32>
      %sub3A = arith.subf %mul3A_12, %convert_element_type3A_21 : vector<16xf32>
      %convert_element_type3A_22 = arith.sitofp %convert_element_type3A_20 : vector<16xi32> to vector<16xf32>
      %sub3A_23 = arith.subf %mul3A_18, %convert_element_type3A_22 : vector<16xf32>
      %get3A_24 = arith.constant 32 : index
      %get3A_25 = tpu.vector_load %arg4[%get3A_24] {strides = array<i32>} : memref<64xf32, #tpu.memory_space<vmem>>, vector<16xf32>,
      %get3A_26 = vector.shape_cast %get3A_25 : vector<16xf32> to vector<16xf32>
      %get3A_27 = arith.constant 48 : index
      %get3A_28 = tpu.vector_load %arg4[%get3A_27] {strides = array<i32>} : memref<64xf32, #tpu.memory_space<vmem>>, vector<16xf32>,
      %get3A_29 = vector.shape_cast %get3A_28 : vector<16xf32> to vector<16xf32>
      %shift_right_arithmetic3A = arith.constant 3 : i32
      %shift_right_arithmetic3A_30 = vector.broadcast %shift_right_arithmetic3A : i32 to vector<16xi32>
      %shift_right_arithmetic3A_31 = arith.shrsi %convert_element_type3A_20, %shift_right_arithmetic3A_30 : vector<16xi32>
      %mul3A_32 = arith.constant 1024 : i32
      %mul3A_33 = vector.broadcast %mul3A_32 : i32 to vector<16xi32>
      %mul3A_34 = arith.muli %shift_right_arithmetic3A_31, %mul3A_33 : vector<16xi32>
      %and3A = arith.constant 7 : i32
      %and3A_35 = vector.broadcast %and3A : i32 to vector<16xi32>
      %and3A_36 = arith.andi %convert_element_type3A_20, %and3A_35 : vector<16xi32>
      %mul3A_37 = arith.constant 128 : i32
      %mul3A_38 = vector.broadcast %mul3A_37 : i32 to vector<16xi32>
      %mul3A_39 = arith.muli %and3A_36, %mul3A_38 : vector<16xi32>
      %add3A_40 = arith.addi %mul3A_34, %mul3A_39 : vector<16xi32>
      %add3A_41 = arith.addi %add3A_40, %convert_element_type3A_19 : vector<16xi32>
      %iota3A = tpu.iota {dimensions = array<i32: 0>} : vector<16xi32>
      %broadcast_in_dim3A = arith.constant 1.000000e+00 : f32
      %broadcast_in_dim3A_42 = vector.broadcast %broadcast_in_dim3A : f32 to vector<16xf32>
      %slice3A = vector.extract_strided_slice %add3A_41 {offsets = [0], sizes = [1], strides = [1]} : vector<16xi32> to vector<1xi32>
      %squeeze3A = vector.extract %slice3A[0] : i32 from vector<1xi32>
      %add3A_43 = arith.constant 0 : i32
      %add3A_44 = arith.addi %squeeze3A, %add3A_43 : i32
      %get3A_45 = arith.index_cast %add3A_44 : i32 to index
      %get3A_46 = tpu.vector_load %arg5[%get3A_45] {strides = array<i32>} : memref<35840xf32, #tpu.memory_space<vmem>>, vector<16xf32>,
      %get3A_47 = vector.shape_cast %get3A_46 : vector<16xf32> to vector<16xf32>
      %eq3A = arith.constant 0 : i32
      %eq3A_48 = vector.broadcast %eq3A : i32 to vector<16xi32>
      %eq3A_49 = arith.cmpi eq, %iota3A, %eq3A_48 : vector<16xi32>
      %slice3A_50 = vector.extract_strided_slice %sub3A {offsets = [0], sizes = [1], strides = [1]} : vector<16xf32> to vector<1xf32>
      %squeeze3A_51 = vector.extract %slice3A_50[0] : f32 from vector<1xf32>
      %broadcast_in_dim3A_52 = vector.broadcast %squeeze3A_51 : f32 to vector<16xf32>
      %select_n3A = arith.select %eq3A_49, %broadcast_in_dim3A_52, %get3A_47 : vector<16xi1>, vector<16xf32>
      %swap3A = arith.index_cast %add3A_44 : i32 to index
      %swap3A_53 = tpu.vector_load %arg5[%swap3A] {strides = array<i32>} : memref<35840xf32, #tpu.memory_space<vmem>>, vector<16xf32>,
      %swap3A_54 = vector.shape_cast %swap3A_53 : vector<16xf32> to vector<16xf32>
      %swap3A_55 = vector.shape_cast %select_n3A : vector<16xf32> to vector<16xf32>
      tpu.vector_store %arg5[%swap3A], %swap3A_55 {strides = array<i32>} : memref<35840xf32, #tpu.memory_space<vmem>>, vector<16xf32>,
      %add3A_56 = arith.constant 7168 : i32
      %add3A_57 = arith.addi %squeeze3A, %add3A_56 : i32
      %get3A_58 = arith.index_cast %add3A_57 : i32 to index
      %get3A_59 = tpu.vector_load %arg5[%get3A_58] {strides = array<i32>} : memref<35840xf32, #tpu.memory_space<vmem>>, vector<16xf32>,
      %get3A_60 = vector.shape_cast %get3A_59 : vector<16xf32> to vector<16xf32>
      %eq3A_61 = arith.constant 0 : i32
      %eq3A_62 = vector.broadcast %eq3A_61 : i32 to vector<16xi32>
      %eq3A_63 = arith.cmpi eq, %iota3A, %eq3A_62 : vector<16xi32>
      %slice3A_64 = vector.extract_strided_slice %sub3A_23 {offsets = [0], sizes = [1], strides = [1]} : vector<16xf32> to vector<1xf32>
      %squeeze3A_65 = vector.extract %slice3A_64[0] : f32 from vector<1xf32>
      %broadcast_in_dim3A_66 = vector.broadcast %squeeze3A_65 : f32 to vector<16xf32>
      %select_n3A_67 = arith.select %eq3A_63, %broadcast_in_dim3A_66, %get3A_60 : vector<16xi1>, vector<16xf32>
      %swap3A_68 = arith.index_cast %add3A_57 : i32 to index
      %swap3A_69 = tpu.vector_load %arg5[%swap3A_68] {strides = array<i32>} : memref<35840xf32, #tpu.memory_space<vmem>>, vector<16xf32>,
      %swap3A_70 = vector.shape_cast %swap3A_69 : vector<16xf32> to vector<16xf32>
      %swap3A_71 = vector.shape_cast %select_n3A_67 : vector<16xf32> to vector<16xf32>
      tpu.vector_store %arg5[%swap3A_68], %swap3A_71 {strides = array<i32>} : memref<35840xf32, #tpu.memory_space<vmem>>, vector<16xf32>,
      %add3A_72 = arith.constant 14336 : i32
      %add3A_73 = arith.addi %squeeze3A, %add3A_72 : i32
      %get3A_74 = arith.index_cast %add3A_73 : i32 to index
      %get3A_75 = tpu.vector_load %arg5[%get3A_74] {strides = array<i32>} : memref<35840xf32, #tpu.memory_space<vmem>>, vector<16xf32>,
      %get3A_76 = vector.shape_cast %get3A_75 : vector<16xf32> to vector<16xf32>
      %eq3A_77 = arith.constant 0 : i32
      %eq3A_78 = vector.broadcast %eq3A_77 : i32 to vector<16xi32>
      %eq3A_79 = arith.cmpi eq, %iota3A, %eq3A_78 : vector<16xi32>
      %slice3A_80 = vector.extract_strided_slice %get3A_26 {offsets = [0], sizes = [1], strides = [1]} : vector<16xf32> to vector<1xf32>
      %squeeze3A_81 = vector.extract %slice3A_80[0] : f32 from vector<1xf32>
      %broadcast_in_dim3A_82 = vector.broadcast %squeeze3A_81 : f32 to vector<16xf32>
      %select_n3A_83 = arith.select %eq3A_79, %broadcast_in_dim3A_82, %get3A_76 : vector<16xi1>, vector<16xf32>
      %swap3A_84 = arith.index_cast %add3A_73 : i32 to index
      %swap3A_85 = tpu.vector_load %arg5[%swap3A_84] {strides = array<i32>} : memref<35840xf32, #tpu.memory_space<vmem>>, vector<16xf32>,
      %swap3A_86 = vector.shape_cast %swap3A_85 : vector<16xf32> to vector<16xf32>
      %swap3A_87 = vector.shape_cast %select_n3A_83 : vector<16xf32> to vector<16xf32>
      tpu.vector_store %arg5[%swap3A_84], %swap3A_87 {strides = array<i32>} : memref<35840xf32, #tpu.memory_space<vmem>>, vector<16xf32>,
      %add3A_88 = arith.constant 21504 : i32
      %add3A_89 = arith.addi %squeeze3A, %add3A_88 : i32
      %get3A_90 = arith.index_cast %add3A_89 : i32 to index
      %get3A_91 = tpu.vector_load %arg5[%get3A_90] {strides = array<i32>} : memref<35840xf32, #tpu.memory_space<vmem>>, vector<16xf32>,
      %get3A_92 = vector.shape_cast %get3A_91 : vector<16xf32> to vector<16xf32>
      %eq3A_93 = arith.constant 0 : i32
      %eq3A_94 = vector.broadcast %eq3A_93 : i32 to vector<16xi32>
      %eq3A_95 = arith.cmpi eq, %iota3A, %eq3A_94 : vector<16xi32>
      %slice3A_96 = vector.extract_strided_slice %get3A_29 {offsets = [0], sizes = [1], strides = [1]} : vector<16xf32> to vector<1xf32>
      %squeeze3A_97 = vector.extract %slice3A_96[0] : f32 from vector<1xf32>
      %broadcast_in_dim3A_98 = vector.broadcast %squeeze3A_97 : f32 to vector<16xf32>
      %select_n3A_99 = arith.select %eq3A_95, %broadcast_in_dim3A_98, %get3A_92 : vector<16xi1>, vector<16xf32>
      %swap3A_100 = arith.index_cast %add3A_89 : i32 to index
      %swap3A_101 = tpu.vector_load %arg5[%swap3A_100] {strides = array<i32>} : memref<35840xf32, #tpu.memory_space<vmem>>, vector<16xf32>,
      %swap3A_102 = vector.shape_cast %swap3A_101 : vector<16xf32> to vector<16xf32>
      %swap3A_103 = vector.shape_cast %select_n3A_99 : vector<16xf32> to vector<16xf32>
      tpu.vector_store %arg5[%swap3A_100], %swap3A_103 {strides = array<i32>} : memref<35840xf32, #tpu.memory_space<vmem>>, vector<16xf32>,
      %add3A_104 = arith.constant 28672 : i32
      %add3A_105 = arith.addi %squeeze3A, %add3A_104 : i32
      %get3A_106 = arith.index_cast %add3A_105 : i32 to index
      %get3A_107 = tpu.vector_load %arg5[%get3A_106] {strides = array<i32>} : memref<35840xf32, #tpu.memory_space<vmem>>, vector<16xf32>,
      %get3A_108 = vector.shape_cast %get3A_107 : vector<16xf32> to vector<16xf32>
      %eq3A_109 = arith.constant 0 : i32
      %eq3A_110 = vector.broadcast %eq3A_109 : i32 to vector<16xi32>
      %eq3A_111 = arith.cmpi eq, %iota3A, %eq3A_110 : vector<16xi32>
      %slice3A_112 = vector.extract_strided_slice %broadcast_in_dim3A_42 {offsets = [0], sizes = [1], strides = [1]} : vector<16xf32> to vector<1xf32>
      %squeeze3A_113 = vector.extract %slice3A_112[0] : f32 from vector<1xf32>
      %broadcast_in_dim3A_114 = vector.broadcast %squeeze3A_113 : f32 to vector<16xf32>
      %select_n3A_115 = arith.select %eq3A_111, %broadcast_in_dim3A_114, %get3A_108 : vector<16xi1>, vector<16xf32>
      %swap3A_116 = arith.index_cast %add3A_105 : i32 to index
      %swap3A_117 = tpu.vector_load %arg5[%swap3A_116] {strides = array<i32>} : memref<35840xf32, #tpu.memory_space<vmem>>, vector<16xf32>,
      %swap3A_118 = vector.shape_cast %swap3A_117 : vector<16xf32> to vector<16xf32>
      %swap3A_119 = vector.shape_cast %select_n3A_115 : vector<16xf32> to vector<16xf32>
      tpu.vector_store %arg5[%swap3A_116], %swap3A_119 {strides = array<i32>} : memref<35840xf32, #tpu.memory_space<vmem>>, vector<16xf32>,
      %slice3A_120 = vector.extract_strided_slice %add3A_41 {offsets = [1], sizes = [1], strides = [1]} : vector<16xi32> to vector<1xi32>
      %squeeze3A_121 = vector.extract %slice3A_120[0] : i32 from vector<1xi32>
      %add3A_122 = arith.constant 0 : i32
      %add3A_123 = arith.addi %squeeze3A_121, %add3A_122 : i32
      %get3A_124 = arith.index_cast %add3A_123 : i32 to index
      %get3A_125 = tpu.vector_load %arg5[%get3A_124] {strides = array<i32>} : memref<35840xf32, #tpu.memory_space<vmem>>, vector<16xf32>,
      %get3A_126 = vector.shape_cast %get3A_125 : vector<16xf32> to vector<16xf32>
      %eq3A_127 = arith.constant 0 : i32
      %eq3A_128 = vector.broadcast %eq3A_127 : i32 to vector<16xi32>
      %eq3A_129 = arith.cmpi eq, %iota3A, %eq3A_128 : vector<16xi32>
      %slice3A_130 = vector.extract_strided_slice %sub3A {offsets = [1], sizes = [1], strides = [1]} : vector<16xf32> to vector<1xf32>
      %squeeze3A_131 = vector.extract %slice3A_130[0] : f32 from vector<1xf32>
      %broadcast_in_dim3A_132 = vector.broadcast %squeeze3A_131 : f32 to vector<16xf32>
      %select_n3A_133 = arith.select %eq3A_129, %broadcast_in_dim3A_132, %get3A_126 : vector<16xi1>, vector<16xf32>
      %swap3A_134 = arith.index_cast %add3A_123 : i32 to index
      %swap3A_135 = tpu.vector_load %arg5[%swap3A_134] {strides = array<i32>} : memref<35840xf32, #tpu.memory_space<vmem>>, vector<16xf32>,
      %swap3A_136 = vector.shape_cast %swap3A_135 : vector<16xf32> to vector<16xf32>
      %swap3A_137 = vector.shape_cast %select_n3A_133 : vector<16xf32> to vector<16xf32>
      tpu.vector_store %arg5[%swap3A_134], %swap3A_137 {strides = array<i32>} : memref<35840xf32, #tpu.memory_space<vmem>>, vector<16xf32>,
      %add3A_138 = arith.constant 7168 : i32
      %add3A_139 = arith.addi %squeeze3A_121, %add3A_138 : i32
      %get3A_140 = arith.index_cast %add3A_139 : i32 to index
      %get3A_141 = tpu.vector_load %arg5[%get3A_140] {strides = array<i32>} : memref<35840xf32, #tpu.memory_space<vmem>>, vector<16xf32>,
      %get3A_142 = vector.shape_cast %get3A_141 : vector<16xf32> to vector<16xf32>
      %eq3A_143 = arith.constant 0 : i32
      %eq3A_144 = vector.broadcast %eq3A_143 : i32 to vector<16xi32>
      %eq3A_145 = arith.cmpi eq, %iota3A, %eq3A_144 : vector<16xi32>
      %slice3A_146 = vector.extract_strided_slice %sub3A_23 {offsets = [1], sizes = [1], strides = [1]} : vector<16xf32> to vector<1xf32>
      %squeeze3A_147 = vector.extract %slice3A_146[0] : f32 from vector<1xf32>
      %broadcast_in_dim3A_148 = vector.broadcast %squeeze3A_147 : f32 to vector<16xf32>
      %select_n3A_149 = arith.select %eq3A_145, %broadcast_in_dim3A_148, %get3A_142 : vector<16xi1>, vector<16xf32>
      %swap3A_150 = arith.index_cast %add3A_139 : i32 to index
      %swap3A_151 = tpu.vector_load %arg5[%swap3A_150] {strides = array<i32>} : memref<35840xf32, #tpu.memory_space<vmem>>, vector<16xf32>,
      %swap3A_152 = vector.shape_cast %swap3A_151 : vector<16xf32> to vector<16xf32>
      %swap3A_153 = vector.shape_cast %select_n3A_149 : vector<16xf32> to vector<16xf32>
      tpu.vector_store %arg5[%swap3A_150], %swap3A_153 {strides = array<i32>} : memref<35840xf32, #tpu.memory_space<vmem>>, vector<16xf32>,
      %add3A_154 = arith.constant 14336 : i32
      %add3A_155 = arith.addi %squeeze3A_121, %add3A_154 : i32
      %get3A_156 = arith.index_cast %add3A_155 : i32 to index
      %get3A_157 = tpu.vector_load %arg5[%get3A_156] {strides = array<i32>} : memref<35840xf32, #tpu.memory_space<vmem>>, vector<16xf32>,
      %get3A_158 = vector.shape_cast %get3A_157 : vector<16xf32> to vector<16xf32>
      %eq3A_159 = arith.constant 0 : i32
      %eq3A_160 = vector.broadcast %eq3A_159 : i32 to vector<16xi32>
      %eq3A_161 = arith.cmpi eq, %iota3A, %eq3A_160 : vector<16xi32>
      %slice3A_162 = vector.extract_strided_slice %get3A_26 {offsets = [1], sizes = [1], strides = [1]} : vector<16xf32> to vector<1xf32>
      %squeeze3A_163 = vector.extract %slice3A_162[0] : f32 from vector<1xf32>
      %broadcast_in_dim3A_164 = vector.broadcast %squeeze3A_163 : f32 to vector<16xf32>
      %select_n3A_165 = arith.select %eq3A_161, %broadcast_in_dim3A_164, %get3A_158 : vector<16xi1>, vector<16xf32>
      %swap3A_166 = arith.index_cast %add3A_155 : i32 to index
      %swap3A_167 = tpu.vector_load %arg5[%swap3A_166] {strides = array<i32>} : memref<35840xf32, #tpu.memory_space<vmem>>, vector<16xf32>,
      %swap3A_168 = vector.shape_cast %swap3A_167 : vector<16xf32> to vector<16xf32>
      %swap3A_169 = vector.shape_cast %select_n3A_165 : vector<16xf32> to vector<16xf32>
      tpu.vector_store %arg5[%swap3A_166], %swap3A_169 {strides = array<i32>} : memref<35840xf32, #tpu.memory_space<vmem>>, vector<16xf32>,
      %add3A_170 = arith.constant 21504 : i32
      %add3A_171 = arith.addi %squeeze3A_121, %add3A_170 : i32
      %get3A_172 = arith.index_cast %add3A_171 : i32 to index
      %get3A_173 = tpu.vector_load %arg5[%get3A_172] {strides = array<i32>} : memref<35840xf32, #tpu.memory_space<vmem>>, vector<16xf32>,
      %get3A_174 = vector.shape_cast %get3A_173 : vector<16xf32> to vector<16xf32>
      %eq3A_175 = arith.constant 0 : i32
      %eq3A_176 = vector.broadcast %eq3A_175 : i32 to vector<16xi32>
      %eq3A_177 = arith.cmpi eq, %iota3A, %eq3A_176 : vector<16xi32>
      %slice3A_178 = vector.extract_strided_slice %get3A_29 {offsets = [1], sizes = [1], strides = [1]} : vector<16xf32> to vector<1xf32>
      %squeeze3A_179 = vector.extract %slice3A_178[0] : f32 from vector<1xf32>
      %broadcast_in_dim3A_180 = vector.broadcast %squeeze3A_179 : f32 to vector<16xf32>
      %select_n3A_181 = arith.select %eq3A_177, %broadcast_in_dim3A_180, %get3A_174 : vector<16xi1>, vector<16xf32>
      %swap3A_182 = arith.index_cast %add3A_171 : i32 to index
      %swap3A_183 = tpu.vector_load %arg5[%swap3A_182] {strides = array<i32>} : memref<35840xf32, #tpu.memory_space<vmem>>, vector<16xf32>,
      %swap3A_184 = vector.shape_cast %swap3A_183 : vector<16xf32> to vector<16xf32>
      %swap3A_185 = vector.shape_cast %select_n3A_181 : vector<16xf32> to vector<16xf32>
      tpu.vector_store %arg5[%swap3A_182], %swap3A_185 {strides = array<i32>} : memref<35840xf32, #tpu.memory_space<vmem>>, vector<16xf32>,
      %add3A_186 = arith.constant 28672 : i32
      %add3A_187 = arith.addi %squeeze3A_121, %add3A_186 : i32
      %get3A_188 = arith.index_cast %add3A_187 : i32 to index
      %get3A_189 = tpu.vector_load %arg5[%get3A_188] {strides = array<i32>} : memref<35840xf32, #tpu.memory_space<vmem>>, vector<16xf32>,
      %get3A_190 = vector.shape_cast %get3A_189 : vector<16xf32> to vector<16xf32>
      %eq3A_191 = arith.constant 0 : i32
      %eq3A_192 = vector.broadcast %eq3A_191 : i32 to vector<16xi32>
      %eq3A_193 = arith.cmpi eq, %iota3A, %eq3A_192 : vector<16xi32>
      %slice3A_194 = vector.extract_strided_slice %broadcast_in_dim3A_42 {offsets = [1], sizes = [1], strides = [1]} : vector<16xf32> to vector<1xf32>
      %squeeze3A_195 = vector.extract %slice3A_194[0] : f32 from vector<1xf32>
      %broadcast_in_dim3A_196 = vector.broadcast %squeeze3A_195 : f32 to vector<16xf32>
      %select_n3A_197 = arith.select %eq3A_193, %broadcast_in_dim3A_196, %get3A_190 : vector<16xi1>, vector<16xf32>
      %swap3A_198 = arith.index_cast %add3A_187 : i32 to index
      %swap3A_199 = tpu.vector_load %arg5[%swap3A_198] {strides = array<i32>} : memref<35840xf32, #tpu.memory_space<vmem>>, vector<16xf32>,
      %swap3A_200 = vector.shape_cast %swap3A_199 : vector<16xf32> to vector<16xf32>
      %swap3A_201 = vector.shape_cast %select_n3A_197 : vector<16xf32> to vector<16xf32>
      tpu.vector_store %arg5[%swap3A_198], %swap3A_201 {strides = array<i32>} : memref<35840xf32, #tpu.memory_space<vmem>>, vector<16xf32>,
      %slice3A_202 = vector.extract_strided_slice %add3A_41 {offsets = [2], sizes = [1], strides = [1]} : vector<16xi32> to vector<1xi32>
      %squeeze3A_203 = vector.extract %slice3A_202[0] : i32 from vector<1xi32>
      %add3A_204 = arith.constant 0 : i32
      %add3A_205 = arith.addi %squeeze3A_203, %add3A_204 : i32
      %get3A_206 = arith.index_cast %add3A_205 : i32 to index
      %get3A_207 = tpu.vector_load %arg5[%get3A_206] {strides = array<i32>} : memref<35840xf32, #tpu.memory_space<vmem>>, vector<16xf32>,
      %get3A_208 = vector.shape_cast %get3A_207 : vector<16xf32> to vector<16xf32>
      %eq3A_209 = arith.constant 0 : i32
      %eq3A_210 = vector.broadcast %eq3A_209 : i32 to vector<16xi32>
      %eq3A_211 = arith.cmpi eq, %iota3A, %eq3A_210 : vector<16xi32>
      %slice3A_212 = vector.extract_strided_slice %sub3A {offsets = [2], sizes = [1], strides = [1]} : vector<16xf32> to vector<1xf32>
      %squeeze3A_213 = vector.extract %slice3A_212[0] : f32 from vector<1xf32>
      %broadcast_in_dim3A_214 = vector.broadcast %squeeze3A_213 : f32 to vector<16xf32>
      %select_n3A_215 = arith.select %eq3A_211, %broadcast_in_dim3A_214, %get3A_208 : vector<16xi1>, vector<16xf32>
      %swap3A_216 = arith.index_cast %add3A_205 : i32 to index
      %swap3A_217 = tpu.vector_load %arg5[%swap3A_216] {strides = array<i32>} : memref<35840xf32, #tpu.memory_space<vmem>>, vector<16xf32>,
      %swap3A_218 = vector.shape_cast %swap3A_217 : vector<16xf32> to vector<16xf32>
      %swap3A_219 = vector.shape_cast %select_n3A_215 : vector<16xf32> to vector<16xf32>
      tpu.vector_store %arg5[%swap3A_216], %swap3A_219 {strides = array<i32>} : memref<35840xf32, #tpu.memory_space<vmem>>, vector<16xf32>,
      %add3A_220 = arith.constant 7168 : i32
      %add3A_221 = arith.addi %squeeze3A_203, %add3A_220 : i32
      %get3A_222 = arith.index_cast %add3A_221 : i32 to index
      %get3A_223 = tpu.vector_load %arg5[%get3A_222] {strides = array<i32>} : memref<35840xf32, #tpu.memory_space<vmem>>, vector<16xf32>,
      %get3A_224 = vector.shape_cast %get3A_223 : vector<16xf32> to vector<16xf32>
      %eq3A_225 = arith.constant 0 : i32
      %eq3A_226 = vector.broadcast %eq3A_225 : i32 to vector<16xi32>
      %eq3A_227 = arith.cmpi eq, %iota3A, %eq3A_226 : vector<16xi32>
      %slice3A_228 = vector.extract_strided_slice %sub3A_23 {offsets = [2], sizes = [1], strides = [1]} : vector<16xf32> to vector<1xf32>
      %squeeze3A_229 = vector.extract %slice3A_228[0] : f32 from vector<1xf32>
      %broadcast_in_dim3A_230 = vector.broadcast %squeeze3A_229 : f32 to vector<16xf32>
      %select_n3A_231 = arith.select %eq3A_227, %broadcast_in_dim3A_230, %get3A_224 : vector<16xi1>, vector<16xf32>
      %swap3A_232 = arith.index_cast %add3A_221 : i32 to index
      %swap3A_233 = tpu.vector_load %arg5[%swap3A_232] {strides = array<i32>} : memref<35840xf32, #tpu.memory_space<vmem>>, vector<16xf32>,
      %swap3A_234 = vector.shape_cast %swap3A_233 : vector<16xf32> to vector<16xf32>
      %swap3A_235 = vector.shape_cast %select_n3A_231 : vector<16xf32> to vector<16xf32>
      tpu.vector_store %arg5[%swap3A_232], %swap3A_235 {strides = array<i32>} : memref<35840xf32, #tpu.memory_space<vmem>>, vector<16xf32>,
      %add3A_236 = arith.constant 14336 : i32
      %add3A_237 = arith.addi %squeeze3A_203, %add3A_236 : i32
      %get3A_238 = arith.index_cast %add3A_237 : i32 to index
      %get3A_239 = tpu.vector_load %arg5[%get3A_238] {strides = array<i32>} : memref<35840xf32, #tpu.memory_space<vmem>>, vector<16xf32>,
      %get3A_240 = vector.shape_cast %get3A_239 : vector<16xf32> to vector<16xf32>
      %eq3A_241 = arith.constant 0 : i32
      %eq3A_242 = vector.broadcast %eq3A_241 : i32 to vector<16xi32>
      %eq3A_243 = arith.cmpi eq, %iota3A, %eq3A_242 : vector<16xi32>
      %slice3A_244 = vector.extract_strided_slice %get3A_26 {offsets = [2], sizes = [1], strides = [1]} : vector<16xf32> to vector<1xf32>
      %squeeze3A_245 = vector.extract %slice3A_244[0] : f32 from vector<1xf32>
      %broadcast_in_dim3A_246 = vector.broadcast %squeeze3A_245 : f32 to vector<16xf32>
      %select_n3A_247 = arith.select %eq3A_243, %broadcast_in_dim3A_246, %get3A_240 : vector<16xi1>, vector<16xf32>
      %swap3A_248 = arith.index_cast %add3A_237 : i32 to index
      %swap3A_249 = tpu.vector_load %arg5[%swap3A_248] {strides = array<i32>} : memref<35840xf32, #tpu.memory_space<vmem>>, vector<16xf32>,
      %swap3A_250 = vector.shape_cast %swap3A_249 : vector<16xf32> to vector<16xf32>
      %swap3A_251 = vector.shape_cast %select_n3A_247 : vector<16xf32> to vector<16xf32>
      tpu.vector_store %arg5[%swap3A_248], %swap3A_251 {strides = array<i32>} : memref<35840xf32, #tpu.memory_space<vmem>>, vector<16xf32>,
      %add3A_252 = arith.constant 21504 : i32
      %add3A_253 = arith.addi %squeeze3A_203, %add3A_252 : i32
      %get3A_254 = arith.index_cast %add3A_253 : i32 to index
      %get3A_255 = tpu.vector_load %arg5[%get3A_254] {strides = array<i32>} : memref<35840xf32, #tpu.memory_space<vmem>>, vector<16xf32>,
      %get3A_256 = vector.shape_cast %get3A_255 : vector<16xf32> to vector<16xf32>
      %eq3A_257 = arith.constant 0 : i32
      %eq3A_258 = vector.broadcast %eq3A_257 : i32 to vector<16xi32>
      %eq3A_259 = arith.cmpi eq, %iota3A, %eq3A_258 : vector<16xi32>
      %slice3A_260 = vector.extract_strided_slice %get3A_29 {offsets = [2], sizes = [1], strides = [1]} : vector<16xf32> to vector<1xf32>
      %squeeze3A_261 = vector.extract %slice3A_260[0] : f32 from vector<1xf32>
      %broadcast_in_dim3A_262 = vector.broadcast %squeeze3A_261 : f32 to vector<16xf32>
      %select_n3A_263 = arith.select %eq3A_259, %broadcast_in_dim3A_262, %get3A_256 : vector<16xi1>, vector<16xf32>
      %swap3A_264 = arith.index_cast %add3A_253 : i32 to index
      %swap3A_265 = tpu.vector_load %arg5[%swap3A_264] {strides = array<i32>} : memref<35840xf32, #tpu.memory_space<vmem>>, vector<16xf32>,
      %swap3A_266 = vector.shape_cast %swap3A_265 : vector<16xf32> to vector<16xf32>
      %swap3A_267 = vector.shape_cast %select_n3A_263 : vector<16xf32> to vector<16xf32>
      tpu.vector_store %arg5[%swap3A_264], %swap3A_267 {strides = array<i32>} : memref<35840xf32, #tpu.memory_space<vmem>>, vector<16xf32>,
      %add3A_268 = arith.constant 28672 : i32
      %add3A_269 = arith.addi %squeeze3A_203, %add3A_268 : i32
      %get3A_270 = arith.index_cast %add3A_269 : i32 to index
      %get3A_271 = tpu.vector_load %arg5[%get3A_270] {strides = array<i32>} : memref<35840xf32, #tpu.memory_space<vmem>>, vector<16xf32>,
      %get3A_272 = vector.shape_cast %get3A_271 : vector<16xf32> to vector<16xf32>
      %eq3A_273 = arith.constant 0 : i32
      %eq3A_274 = vector.broadcast %eq3A_273 : i32 to vector<16xi32>
      %eq3A_275 = arith.cmpi eq, %iota3A, %eq3A_274 : vector<16xi32>
      %slice3A_276 = vector.extract_strided_slice %broadcast_in_dim3A_42 {offsets = [2], sizes = [1], strides = [1]} : vector<16xf32> to vector<1xf32>
      %squeeze3A_277 = vector.extract %slice3A_276[0] : f32 from vector<1xf32>
      %broadcast_in_dim3A_278 = vector.broadcast %squeeze3A_277 : f32 to vector<16xf32>
      %select_n3A_279 = arith.select %eq3A_275, %broadcast_in_dim3A_278, %get3A_272 : vector<16xi1>, vector<16xf32>
      %swap3A_280 = arith.index_cast %add3A_269 : i32 to index
      %swap3A_281 = tpu.vector_load %arg5[%swap3A_280] {strides = array<i32>} : memref<35840xf32, #tpu.memory_space<vmem>>, vector<16xf32>,
      %swap3A_282 = vector.shape_cast %swap3A_281 : vector<16xf32> to vector<16xf32>
      %swap3A_283 = vector.shape_cast %select_n3A_279 : vector<16xf32> to vector<16xf32>
      tpu.vector_store %arg5[%swap3A_280], %swap3A_283 {strides = array<i32>} : memref<35840xf32, #tpu.memory_space<vmem>>, vector<16xf32>,
      %slice3A_284 = vector.extract_strided_slice %add3A_41 {offsets = [3], sizes = [1], strides = [1]} : vector<16xi32> to vector<1xi32>
      %squeeze3A_285 = vector.extract %slice3A_284[0] : i32 from vector<1xi32>
      %add3A_286 = arith.constant 0 : i32
      %add3A_287 = arith.addi %squeeze3A_285, %add3A_286 : i32
      %get3A_288 = arith.index_cast %add3A_287 : i32 to index
      %get3A_289 = tpu.vector_load %arg5[%get3A_288] {strides = array<i32>} : memref<35840xf32, #tpu.memory_space<vmem>>, vector<16xf32>,
      %get3A_290 = vector.shape_cast %get3A_289 : vector<16xf32> to vector<16xf32>
      %eq3A_291 = arith.constant 0 : i32
      %eq3A_292 = vector.broadcast %eq3A_291 : i32 to vector<16xi32>
      %eq3A_293 = arith.cmpi eq, %iota3A, %eq3A_292 : vector<16xi32>
      %slice3A_294 = vector.extract_strided_slice %sub3A {offsets = [3], sizes = [1], strides = [1]} : vector<16xf32> to vector<1xf32>
      %squeeze3A_295 = vector.extract %slice3A_294[0] : f32 from vector<1xf32>
      %broadcast_in_dim3A_296 = vector.broadcast %squeeze3A_295 : f32 to vector<16xf32>
      %select_n3A_297 = arith.select %eq3A_293, %broadcast_in_dim3A_296, %get3A_290 : vector<16xi1>, vector<16xf32>
      %swap3A_298 = arith.index_cast %add3A_287 : i32 to index
      %swap3A_299 = tpu.vector_load %arg5[%swap3A_298] {strides = array<i32>} : memref<35840xf32, #tpu.memory_space<vmem>>, vector<16xf32>,
      %swap3A_300 = vector.shape_cast %swap3A_299 : vector<16xf32> to vector<16xf32>
      %swap3A_301 = vector.shape_cast %select_n3A_297 : vector<16xf32> to vector<16xf32>
      tpu.vector_store %arg5[%swap3A_298], %swap3A_301 {strides = array<i32>} : memref<35840xf32, #tpu.memory_space<vmem>>, vector<16xf32>,
      %add3A_302 = arith.constant 7168 : i32
      %add3A_303 = arith.addi %squeeze3A_285, %add3A_302 : i32
      %get3A_304 = arith.index_cast %add3A_303 : i32 to index
      %get3A_305 = tpu.vector_load %arg5[%get3A_304] {strides = array<i32>} : memref<35840xf32, #tpu.memory_space<vmem>>, vector<16xf32>,
      %get3A_306 = vector.shape_cast %get3A_305 : vector<16xf32> to vector<16xf32>
      %eq3A_307 = arith.constant 0 : i32
      %eq3A_308 = vector.broadcast %eq3A_307 : i32 to vector<16xi32>
      %eq3A_309 = arith.cmpi eq, %iota3A, %eq3A_308 : vector<16xi32>
      %slice3A_310 = vector.extract_strided_slice %sub3A_23 {offsets = [3], sizes = [1], strides = [1]} : vector<16xf32> to vector<1xf32>
      %squeeze3A_311 = vector.extract %slice3A_310[0] : f32 from vector<1xf32>
      %broadcast_in_dim3A_312 = vector.broadcast %squeeze3A_311 : f32 to vector<16xf32>
      %select_n3A_313 = arith.select %eq3A_309, %broadcast_in_dim3A_312, %get3A_306 : vector<16xi1>, vector<16xf32>
      %swap3A_314 = arith.index_cast %add3A_303 : i32 to index
      %swap3A_315 = tpu.vector_load %arg5[%swap3A_314] {strides = array<i32>} : memref<35840xf32, #tpu.memory_space<vmem>>, vector<16xf32>,
      %swap3A_316 = vector.shape_cast %swap3A_315 : vector<16xf32> to vector<16xf32>
      %swap3A_317 = vector.shape_cast %select_n3A_313 : vector<16xf32> to vector<16xf32>
      tpu.vector_store %arg5[%swap3A_314], %swap3A_317 {strides = array<i32>} : memref<35840xf32, #tpu.memory_space<vmem>>, vector<16xf32>,
      %add3A_318 = arith.constant 14336 : i32
      %add3A_319 = arith.addi %squeeze3A_285, %add3A_318 : i32
      %get3A_320 = arith.index_cast %add3A_319 : i32 to index
      %get3A_321 = tpu.vector_load %arg5[%get3A_320] {strides = array<i32>} : memref<35840xf32, #tpu.memory_space<vmem>>, vector<16xf32>,
      %get3A_322 = vector.shape_cast %get3A_321 : vector<16xf32> to vector<16xf32>
      %eq3A_323 = arith.constant 0 : i32
      %eq3A_324 = vector.broadcast %eq3A_323 : i32 to vector<16xi32>
      %eq3A_325 = arith.cmpi eq, %iota3A, %eq3A_324 : vector<16xi32>
      %slice3A_326 = vector.extract_strided_slice %get3A_26 {offsets = [3], sizes = [1], strides = [1]} : vector<16xf32> to vector<1xf32>
      %squeeze3A_327 = vector.extract %slice3A_326[0] : f32 from vector<1xf32>
      %broadcast_in_dim3A_328 = vector.broadcast %squeeze3A_327 : f32 to vector<16xf32>
      %select_n3A_329 = arith.select %eq3A_325, %broadcast_in_dim3A_328, %get3A_322 : vector<16xi1>, vector<16xf32>
      %swap3A_330 = arith.index_cast %add3A_319 : i32 to index
      %swap3A_331 = tpu.vector_load %arg5[%swap3A_330] {strides = array<i32>} : memref<35840xf32, #tpu.memory_space<vmem>>, vector<16xf32>,
      %swap3A_332 = vector.shape_cast %swap3A_331 : vector<16xf32> to vector<16xf32>
      %swap3A_333 = vector.shape_cast %select_n3A_329 : vector<16xf32> to vector<16xf32>
      tpu.vector_store %arg5[%swap3A_330], %swap3A_333 {strides = array<i32>} : memref<35840xf32, #tpu.memory_space<vmem>>, vector<16xf32>,
      %add3A_334 = arith.constant 21504 : i32
      %add3A_335 = arith.addi %squeeze3A_285, %add3A_334 : i32
      %get3A_336 = arith.index_cast %add3A_335 : i32 to index
      %get3A_337 = tpu.vector_load %arg5[%get3A_336] {strides = array<i32>} : memref<35840xf32, #tpu.memory_space<vmem>>, vector<16xf32>,
      %get3A_338 = vector.shape_cast %get3A_337 : vector<16xf32> to vector<16xf32>
      %eq3A_339 = arith.constant 0 : i32
      %eq3A_340 = vector.broadcast %eq3A_339 : i32 to vector<16xi32>
      %eq3A_341 = arith.cmpi eq, %iota3A, %eq3A_340 : vector<16xi32>
      %slice3A_342 = vector.extract_strided_slice %get3A_29 {offsets = [3], sizes = [1], strides = [1]} : vector<16xf32> to vector<1xf32>
      %squeeze3A_343 = vector.extract %slice3A_342[0] : f32 from vector<1xf32>
      %broadcast_in_dim3A_344 = vector.broadcast %squeeze3A_343 : f32 to vector<16xf32>
      %select_n3A_345 = arith.select %eq3A_341, %broadcast_in_dim3A_344, %get3A_338 : vector<16xi1>, vector<16xf32>
      %swap3A_346 = arith.index_cast %add3A_335 : i32 to index
      %swap3A_347 = tpu.vector_load %arg5[%swap3A_346] {strides = array<i32>} : memref<35840xf32, #tpu.memory_space<vmem>>, vector<16xf32>,
      %swap3A_348 = vector.shape_cast %swap3A_347 : vector<16xf32> to vector<16xf32>
      %swap3A_349 = vector.shape_cast %select_n3A_345 : vector<16xf32> to vector<16xf32>
      tpu.vector_store %arg5[%swap3A_346], %swap3A_349 {strides = array<i32>} : memref<35840xf32, #tpu.memory_space<vmem>>, vector<16xf32>,
      %add3A_350 = arith.constant 28672 : i32
      %add3A_351 = arith.addi %squeeze3A_285, %add3A_350 : i32
      %get3A_352 = arith.index_cast %add3A_351 : i32 to index
      %get3A_353 = tpu.vector_load %arg5[%get3A_352] {strides = array<i32>} : memref<35840xf32, #tpu.memory_space<vmem>>, vector<16xf32>,
      %get3A_354 = vector.shape_cast %get3A_353 : vector<16xf32> to vector<16xf32>
      %eq3A_355 = arith.constant 0 : i32
      %eq3A_356 = vector.broadcast %eq3A_355 : i32 to vector<16xi32>
      %eq3A_357 = arith.cmpi eq, %iota3A, %eq3A_356 : vector<16xi32>
      %slice3A_358 = vector.extract_strided_slice %broadcast_in_dim3A_42 {offsets = [3], sizes = [1], strides = [1]} : vector<16xf32> to vector<1xf32>
      %squeeze3A_359 = vector.extract %slice3A_358[0] : f32 from vector<1xf32>
      %broadcast_in_dim3A_360 = vector.broadcast %squeeze3A_359 : f32 to vector<16xf32>
      %select_n3A_361 = arith.select %eq3A_357, %broadcast_in_dim3A_360, %get3A_354 : vector<16xi1>, vector<16xf32>
      %swap3A_362 = arith.index_cast %add3A_351 : i32 to index
      %swap3A_363 = tpu.vector_load %arg5[%swap3A_362] {strides = array<i32>} : memref<35840xf32, #tpu.memory_space<vmem>>, vector<16xf32>,
      %swap3A_364 = vector.shape_cast %swap3A_363 : vector<16xf32> to vector<16xf32>
      %swap3A_365 = vector.shape_cast %select_n3A_361 : vector<16xf32> to vector<16xf32>
      tpu.vector_store %arg5[%swap3A_362], %swap3A_365 {strides = array<i32>} : memref<35840xf32, #tpu.memory_space<vmem>>, vector<16xf32>,
      %slice3A_366 = vector.extract_strided_slice %add3A_41 {offsets = [4], sizes = [1], strides = [1]} : vector<16xi32> to vector<1xi32>
      %squeeze3A_367 = vector.extract %slice3A_366[0] : i32 from vector<1xi32>
      %add3A_368 = arith.constant 0 : i32
      %add3A_369 = arith.addi %squeeze3A_367, %add3A_368 : i32
      %get3A_370 = arith.index_cast %add3A_369 : i32 to index
      %get3A_371 = tpu.vector_load %arg5[%get3A_370] {strides = array<i32>} : memref<35840xf32, #tpu.memory_space<vmem>>, vector<16xf32>,
      %get3A_372 = vector.shape_cast %get3A_371 : vector<16xf32> to vector<16xf32>
      %eq3A_373 = arith.constant 0 : i32
      %eq3A_374 = vector.broadcast %eq3A_373 : i32 to vector<16xi32>
      %eq3A_375 = arith.cmpi eq, %iota3A, %eq3A_374 : vector<16xi32>
      %slice3A_376 = vector.extract_strided_slice %sub3A {offsets = [4], sizes = [1], strides = [1]} : vector<16xf32> to vector<1xf32>
      %squeeze3A_377 = vector.extract %slice3A_376[0] : f32 from vector<1xf32>
      %broadcast_in_dim3A_378 = vector.broadcast %squeeze3A_377 : f32 to vector<16xf32>
      %select_n3A_379 = arith.select %eq3A_375, %broadcast_in_dim3A_378, %get3A_372 : vector<16xi1>, vector<16xf32>
      %swap3A_380 = arith.index_cast %add3A_369 : i32 to index
      %swap3A_381 = tpu.vector_load %arg5[%swap3A_380] {strides = array<i32>} : memref<35840xf32, #tpu.memory_space<vmem>>, vector<16xf32>,
      %swap3A_382 = vector.shape_cast %swap3A_381 : vector<16xf32> to vector<16xf32>
      %swap3A_383 = vector.shape_cast %select_n3A_379 : vector<16xf32> to vector<16xf32>
      tpu.vector_store %arg5[%swap3A_380], %swap3A_383 {strides = array<i32>} : memref<35840xf32, #tpu.memory_space<vmem>>, vector<16xf32>,
      %add3A_384 = arith.constant 7168 : i32
      %add3A_385 = arith.addi %squeeze3A_367, %add3A_384 : i32
      %get3A_386 = arith.index_cast %add3A_385 : i32 to index
      %get3A_387 = tpu.vector_load %arg5[%get3A_386] {strides = array<i32>} : memref<35840xf32, #tpu.memory_space<vmem>>, vector<16xf32>,
      %get3A_388 = vector.shape_cast %get3A_387 : vector<16xf32> to vector<16xf32>
      %eq3A_389 = arith.constant 0 : i32
      %eq3A_390 = vector.broadcast %eq3A_389 : i32 to vector<16xi32>
      %eq3A_391 = arith.cmpi eq, %iota3A, %eq3A_390 : vector<16xi32>
      %slice3A_392 = vector.extract_strided_slice %sub3A_23 {offsets = [4], sizes = [1], strides = [1]} : vector<16xf32> to vector<1xf32>
      %squeeze3A_393 = vector.extract %slice3A_392[0] : f32 from vector<1xf32>
      %broadcast_in_dim3A_394 = vector.broadcast %squeeze3A_393 : f32 to vector<16xf32>
      %select_n3A_395 = arith.select %eq3A_391, %broadcast_in_dim3A_394, %get3A_388 : vector<16xi1>, vector<16xf32>
      %swap3A_396 = arith.index_cast %add3A_385 : i32 to index
      %swap3A_397 = tpu.vector_load %arg5[%swap3A_396] {strides = array<i32>} : memref<35840xf32, #tpu.memory_space<vmem>>, vector<16xf32>,
      %swap3A_398 = vector.shape_cast %swap3A_397 : vector<16xf32> to vector<16xf32>
      %swap3A_399 = vector.shape_cast %select_n3A_395 : vector<16xf32> to vector<16xf32>
      tpu.vector_store %arg5[%swap3A_396], %swap3A_399 {strides = array<i32>} : memref<35840xf32, #tpu.memory_space<vmem>>, vector<16xf32>,
      %add3A_400 = arith.constant 14336 : i32
      %add3A_401 = arith.addi %squeeze3A_367, %add3A_400 : i32
      %get3A_402 = arith.index_cast %add3A_401 : i32 to index
      %get3A_403 = tpu.vector_load %arg5[%get3A_402] {strides = array<i32>} : memref<35840xf32, #tpu.memory_space<vmem>>, vector<16xf32>,
      %get3A_404 = vector.shape_cast %get3A_403 : vector<16xf32> to vector<16xf32>
      %eq3A_405 = arith.constant 0 : i32
      %eq3A_406 = vector.broadcast %eq3A_405 : i32 to vector<16xi32>
      %eq3A_407 = arith.cmpi eq, %iota3A, %eq3A_406 : vector<16xi32>
      %slice3A_408 = vector.extract_strided_slice %get3A_26 {offsets = [4], sizes = [1], strides = [1]} : vector<16xf32> to vector<1xf32>
      %squeeze3A_409 = vector.extract %slice3A_408[0] : f32 from vector<1xf32>
      %broadcast_in_dim3A_410 = vector.broadcast %squeeze3A_409 : f32 to vector<16xf32>
      %select_n3A_411 = arith.select %eq3A_407, %broadcast_in_dim3A_410, %get3A_404 : vector<16xi1>, vector<16xf32>
      %swap3A_412 = arith.index_cast %add3A_401 : i32 to index
      %swap3A_413 = tpu.vector_load %arg5[%swap3A_412] {strides = array<i32>} : memref<35840xf32, #tpu.memory_space<vmem>>, vector<16xf32>,
      %swap3A_414 = vector.shape_cast %swap3A_413 : vector<16xf32> to vector<16xf32>
      %swap3A_415 = vector.shape_cast %select_n3A_411 : vector<16xf32> to vector<16xf32>
      tpu.vector_store %arg5[%swap3A_412], %swap3A_415 {strides = array<i32>} : memref<35840xf32, #tpu.memory_space<vmem>>, vector<16xf32>,
      %add3A_416 = arith.constant 21504 : i32
      %add3A_417 = arith.addi %squeeze3A_367, %add3A_416 : i32
      %get3A_418 = arith.index_cast %add3A_417 : i32 to index
      %get3A_419 = tpu.vector_load %arg5[%get3A_418] {strides = array<i32>} : memref<35840xf32, #tpu.memory_space<vmem>>, vector<16xf32>,
      %get3A_420 = vector.shape_cast %get3A_419 : vector<16xf32> to vector<16xf32>
      %eq3A_421 = arith.constant 0 : i32
      %eq3A_422 = vector.broadcast %eq3A_421 : i32 to vector<16xi32>
      %eq3A_423 = arith.cmpi eq, %iota3A, %eq3A_422 : vector<16xi32>
      %slice3A_424 = vector.extract_strided_slice %get3A_29 {offsets = [4], sizes = [1], strides = [1]} : vector<16xf32> to vector<1xf32>
      %squeeze3A_425 = vector.extract %slice3A_424[0] : f32 from vector<1xf32>
      %broadcast_in_dim3A_426 = vector.broadcast %squeeze3A_425 : f32 to vector<16xf32>
      %select_n3A_427 = arith.select %eq3A_423, %broadcast_in_dim3A_426, %get3A_420 : vector<16xi1>, vector<16xf32>
      %swap3A_428 = arith.index_cast %add3A_417 : i32 to index
      %swap3A_429 = tpu.vector_load %arg5[%swap3A_428] {strides = array<i32>} : memref<35840xf32, #tpu.memory_space<vmem>>, vector<16xf32>,
      %swap3A_430 = vector.shape_cast %swap3A_429 : vector<16xf32> to vector<16xf32>
      %swap3A_431 = vector.shape_cast %select_n3A_427 : vector<16xf32> to vector<16xf32>
      tpu.vector_store %arg5[%swap3A_428], %swap3A_431 {strides = array<i32>} : memref<35840xf32, #tpu.memory_space<vmem>>, vector<16xf32>,
      %add3A_432 = arith.constant 28672 : i32
      %add3A_433 = arith.addi %squeeze3A_367, %add3A_432 : i32
      %get3A_434 = arith.index_cast %add3A_433 : i32 to index
      %get3A_435 = tpu.vector_load %arg5[%get3A_434] {strides = array<i32>} : memref<35840xf32, #tpu.memory_space<vmem>>, vector<16xf32>,
      %get3A_436 = vector.shape_cast %get3A_435 : vector<16xf32> to vector<16xf32>
      %eq3A_437 = arith.constant 0 : i32
      %eq3A_438 = vector.broadcast %eq3A_437 : i32 to vector<16xi32>
      %eq3A_439 = arith.cmpi eq, %iota3A, %eq3A_438 : vector<16xi32>
      %slice3A_440 = vector.extract_strided_slice %broadcast_in_dim3A_42 {offsets = [4], sizes = [1], strides = [1]} : vector<16xf32> to vector<1xf32>
      %squeeze3A_441 = vector.extract %slice3A_440[0] : f32 from vector<1xf32>
      %broadcast_in_dim3A_442 = vector.broadcast %squeeze3A_441 : f32 to vector<16xf32>
      %select_n3A_443 = arith.select %eq3A_439, %broadcast_in_dim3A_442, %get3A_436 : vector<16xi1>, vector<16xf32>
      %swap3A_444 = arith.index_cast %add3A_433 : i32 to index
      %swap3A_445 = tpu.vector_load %arg5[%swap3A_444] {strides = array<i32>} : memref<35840xf32, #tpu.memory_space<vmem>>, vector<16xf32>,
      %swap3A_446 = vector.shape_cast %swap3A_445 : vector<16xf32> to vector<16xf32>
      %swap3A_447 = vector.shape_cast %select_n3A_443 : vector<16xf32> to vector<16xf32>
      tpu.vector_store %arg5[%swap3A_444], %swap3A_447 {strides = array<i32>} : memref<35840xf32, #tpu.memory_space<vmem>>, vector<16xf32>,
      %slice3A_448 = vector.extract_strided_slice %add3A_41 {offsets = [5], sizes = [1], strides = [1]} : vector<16xi32> to vector<1xi32>
      %squeeze3A_449 = vector.extract %slice3A_448[0] : i32 from vector<1xi32>
      %add3A_450 = arith.constant 0 : i32
      %add3A_451 = arith.addi %squeeze3A_449, %add3A_450 : i32
      %get3A_452 = arith.index_cast %add3A_451 : i32 to index
      %get3A_453 = tpu.vector_load %arg5[%get3A_452] {strides = array<i32>} : memref<35840xf32, #tpu.memory_space<vmem>>, vector<16xf32>,
      %get3A_454 = vector.shape_cast %get3A_453 : vector<16xf32> to vector<16xf32>
      %eq3A_455 = arith.constant 0 : i32
      %eq3A_456 = vector.broadcast %eq3A_455 : i32 to vector<16xi32>
      %eq3A_457 = arith.cmpi eq, %iota3A, %eq3A_456 : vector<16xi32>
      %slice3A_458 = vector.extract_strided_slice %sub3A {offsets = [5], sizes = [1], strides = [1]} : vector<16xf32> to vector<1xf32>
      %squeeze3A_459 = vector.extract %slice3A_458[0] : f32 from vector<1xf32>
      %broadcast_in_dim3A_460 = vector.broadcast %squeeze3A_459 : f32 to vector<16xf32>
      %select_n3A_461 = arith.select %eq3A_457, %broadcast_in_dim3A_460, %get3A_454 : vector<16xi1>, vector<16xf32>
      %swap3A_462 = arith.index_cast %add3A_451 : i32 to index
      %swap3A_463 = tpu.vector_load %arg5[%swap3A_462] {strides = array<i32>} : memref<35840xf32, #tpu.memory_space<vmem>>, vector<16xf32>,
      %swap3A_464 = vector.shape_cast %swap3A_463 : vector<16xf32> to vector<16xf32>
      %swap3A_465 = vector.shape_cast %select_n3A_461 : vector<16xf32> to vector<16xf32>
      tpu.vector_store %arg5[%swap3A_462], %swap3A_465 {strides = array<i32>} : memref<35840xf32, #tpu.memory_space<vmem>>, vector<16xf32>,
      %add3A_466 = arith.constant 7168 : i32
      %add3A_467 = arith.addi %squeeze3A_449, %add3A_466 : i32
      %get3A_468 = arith.index_cast %add3A_467 : i32 to index
      %get3A_469 = tpu.vector_load %arg5[%get3A_468] {strides = array<i32>} : memref<35840xf32, #tpu.memory_space<vmem>>, vector<16xf32>,
      %get3A_470 = vector.shape_cast %get3A_469 : vector<16xf32> to vector<16xf32>
      %eq3A_471 = arith.constant 0 : i32
      %eq3A_472 = vector.broadcast %eq3A_471 : i32 to vector<16xi32>
      %eq3A_473 = arith.cmpi eq, %iota3A, %eq3A_472 : vector<16xi32>
      %slice3A_474 = vector.extract_strided_slice %sub3A_23 {offsets = [5], sizes = [1], strides = [1]} : vector<16xf32> to vector<1xf32>
      %squeeze3A_475 = vector.extract %slice3A_474[0] : f32 from vector<1xf32>
      %broadcast_in_dim3A_476 = vector.broadcast %squeeze3A_475 : f32 to vector<16xf32>
      %select_n3A_477 = arith.select %eq3A_473, %broadcast_in_dim3A_476, %get3A_470 : vector<16xi1>, vector<16xf32>
      %swap3A_478 = arith.index_cast %add3A_467 : i32 to index
      %swap3A_479 = tpu.vector_load %arg5[%swap3A_478] {strides = array<i32>} : memref<35840xf32, #tpu.memory_space<vmem>>, vector<16xf32>,
      %swap3A_480 = vector.shape_cast %swap3A_479 : vector<16xf32> to vector<16xf32>
      %swap3A_481 = vector.shape_cast %select_n3A_477 : vector<16xf32> to vector<16xf32>
      tpu.vector_store %arg5[%swap3A_478], %swap3A_481 {strides = array<i32>} : memref<35840xf32, #tpu.memory_space<vmem>>, vector<16xf32>,
      %add3A_482 = arith.constant 14336 : i32
      %add3A_483 = arith.addi %squeeze3A_449, %add3A_482 : i32
      %get3A_484 = arith.index_cast %add3A_483 : i32 to index
      %get3A_485 = tpu.vector_load %arg5[%get3A_484] {strides = array<i32>} : memref<35840xf32, #tpu.memory_space<vmem>>, vector<16xf32>,
      %get3A_486 = vector.shape_cast %get3A_485 : vector<16xf32> to vector<16xf32>
      %eq3A_487 = arith.constant 0 : i32
      %eq3A_488 = vector.broadcast %eq3A_487 : i32 to vector<16xi32>
      %eq3A_489 = arith.cmpi eq, %iota3A, %eq3A_488 : vector<16xi32>
      %slice3A_490 = vector.extract_strided_slice %get3A_26 {offsets = [5], sizes = [1], strides = [1]} : vector<16xf32> to vector<1xf32>
      %squeeze3A_491 = vector.extract %slice3A_490[0] : f32 from vector<1xf32>
      %broadcast_in_dim3A_492 = vector.broadcast %squeeze3A_491 : f32 to vector<16xf32>
      %select_n3A_493 = arith.select %eq3A_489, %broadcast_in_dim3A_492, %get3A_486 : vector<16xi1>, vector<16xf32>
      %swap3A_494 = arith.index_cast %add3A_483 : i32 to index
      %swap3A_495 = tpu.vector_load %arg5[%swap3A_494] {strides = array<i32>} : memref<35840xf32, #tpu.memory_space<vmem>>, vector<16xf32>,
      %swap3A_496 = vector.shape_cast %swap3A_495 : vector<16xf32> to vector<16xf32>
      %swap3A_497 = vector.shape_cast %select_n3A_493 : vector<16xf32> to vector<16xf32>
      tpu.vector_store %arg5[%swap3A_494], %swap3A_497 {strides = array<i32>} : memref<35840xf32, #tpu.memory_space<vmem>>, vector<16xf32>,
      %add3A_498 = arith.constant 21504 : i32
      %add3A_499 = arith.addi %squeeze3A_449, %add3A_498 : i32
      %get3A_500 = arith.index_cast %add3A_499 : i32 to index
      %get3A_501 = tpu.vector_load %arg5[%get3A_500] {strides = array<i32>} : memref<35840xf32, #tpu.memory_space<vmem>>, vector<16xf32>,
      %get3A_502 = vector.shape_cast %get3A_501 : vector<16xf32> to vector<16xf32>
      %eq3A_503 = arith.constant 0 : i32
      %eq3A_504 = vector.broadcast %eq3A_503 : i32 to vector<16xi32>
      %eq3A_505 = arith.cmpi eq, %iota3A, %eq3A_504 : vector<16xi32>
      %slice3A_506 = vector.extract_strided_slice %get3A_29 {offsets = [5], sizes = [1], strides = [1]} : vector<16xf32> to vector<1xf32>
      %squeeze3A_507 = vector.extract %slice3A_506[0] : f32 from vector<1xf32>
      %broadcast_in_dim3A_508 = vector.broadcast %squeeze3A_507 : f32 to vector<16xf32>
      %select_n3A_509 = arith.select %eq3A_505, %broadcast_in_dim3A_508, %get3A_502 : vector<16xi1>, vector<16xf32>
      %swap3A_510 = arith.index_cast %add3A_499 : i32 to index
      %swap3A_511 = tpu.vector_load %arg5[%swap3A_510] {strides = array<i32>} : memref<35840xf32, #tpu.memory_space<vmem>>, vector<16xf32>,
      %swap3A_512 = vector.shape_cast %swap3A_511 : vector<16xf32> to vector<16xf32>
      %swap3A_513 = vector.shape_cast %select_n3A_509 : vector<16xf32> to vector<16xf32>
      tpu.vector_store %arg5[%swap3A_510], %swap3A_513 {strides = array<i32>} : memref<35840xf32, #tpu.memory_space<vmem>>, vector<16xf32>,
      %add3A_514 = arith.constant 28672 : i32
      %add3A_515 = arith.addi %squeeze3A_449, %add3A_514 : i32
      %get3A_516 = arith.index_cast %add3A_515 : i32 to index
      %get3A_517 = tpu.vector_load %arg5[%get3A_516] {strides = array<i32>} : memref<35840xf32, #tpu.memory_space<vmem>>, vector<16xf32>,
      %get3A_518 = vector.shape_cast %get3A_517 : vector<16xf32> to vector<16xf32>
      %eq3A_519 = arith.constant 0 : i32
      %eq3A_520 = vector.broadcast %eq3A_519 : i32 to vector<16xi32>
      %eq3A_521 = arith.cmpi eq, %iota3A, %eq3A_520 : vector<16xi32>
      %slice3A_522 = vector.extract_strided_slice %broadcast_in_dim3A_42 {offsets = [5], sizes = [1], strides = [1]} : vector<16xf32> to vector<1xf32>
      %squeeze3A_523 = vector.extract %slice3A_522[0] : f32 from vector<1xf32>
      %broadcast_in_dim3A_524 = vector.broadcast %squeeze3A_523 : f32 to vector<16xf32>
      %select_n3A_525 = arith.select %eq3A_521, %broadcast_in_dim3A_524, %get3A_518 : vector<16xi1>, vector<16xf32>
      %swap3A_526 = arith.index_cast %add3A_515 : i32 to index
      %swap3A_527 = tpu.vector_load %arg5[%swap3A_526] {strides = array<i32>} : memref<35840xf32, #tpu.memory_space<vmem>>, vector<16xf32>,
      %swap3A_528 = vector.shape_cast %swap3A_527 : vector<16xf32> to vector<16xf32>
      %swap3A_529 = vector.shape_cast %select_n3A_525 : vector<16xf32> to vector<16xf32>
      tpu.vector_store %arg5[%swap3A_526], %swap3A_529 {strides = array<i32>} : memref<35840xf32, #tpu.memory_space<vmem>>, vector<16xf32>,
      %slice3A_530 = vector.extract_strided_slice %add3A_41 {offsets = [6], sizes = [1], strides = [1]} : vector<16xi32> to vector<1xi32>
      %squeeze3A_531 = vector.extract %slice3A_530[0] : i32 from vector<1xi32>
      %add3A_532 = arith.constant 0 : i32
      %add3A_533 = arith.addi %squeeze3A_531, %add3A_532 : i32
      %get3A_534 = arith.index_cast %add3A_533 : i32 to index
      %get3A_535 = tpu.vector_load %arg5[%get3A_534] {strides = array<i32>} : memref<35840xf32, #tpu.memory_space<vmem>>, vector<16xf32>,
      %get3A_536 = vector.shape_cast %get3A_535 : vector<16xf32> to vector<16xf32>
      %eq3A_537 = arith.constant 0 : i32
      %eq3A_538 = vector.broadcast %eq3A_537 : i32 to vector<16xi32>
      %eq3A_539 = arith.cmpi eq, %iota3A, %eq3A_538 : vector<16xi32>
      %slice3A_540 = vector.extract_strided_slice %sub3A {offsets = [6], sizes = [1], strides = [1]} : vector<16xf32> to vector<1xf32>
      %squeeze3A_541 = vector.extract %slice3A_540[0] : f32 from vector<1xf32>
      %broadcast_in_dim3A_542 = vector.broadcast %squeeze3A_541 : f32 to vector<16xf32>
      %select_n3A_543 = arith.select %eq3A_539, %broadcast_in_dim3A_542, %get3A_536 : vector<16xi1>, vector<16xf32>
      %swap3A_544 = arith.index_cast %add3A_533 : i32 to index
      %swap3A_545 = tpu.vector_load %arg5[%swap3A_544] {strides = array<i32>} : memref<35840xf32, #tpu.memory_space<vmem>>, vector<16xf32>,
      %swap3A_546 = vector.shape_cast %swap3A_545 : vector<16xf32> to vector<16xf32>
      %swap3A_547 = vector.shape_cast %select_n3A_543 : vector<16xf32> to vector<16xf32>
      tpu.vector_store %arg5[%swap3A_544], %swap3A_547 {strides = array<i32>} : memref<35840xf32, #tpu.memory_space<vmem>>, vector<16xf32>,
      %add3A_548 = arith.constant 7168 : i32
      %add3A_549 = arith.addi %squeeze3A_531, %add3A_548 : i32
      %get3A_550 = arith.index_cast %add3A_549 : i32 to index
      %get3A_551 = tpu.vector_load %arg5[%get3A_550] {strides = array<i32>} : memref<35840xf32, #tpu.memory_space<vmem>>, vector<16xf32>,
      %get3A_552 = vector.shape_cast %get3A_551 : vector<16xf32> to vector<16xf32>
      %eq3A_553 = arith.constant 0 : i32
      %eq3A_554 = vector.broadcast %eq3A_553 : i32 to vector<16xi32>
      %eq3A_555 = arith.cmpi eq, %iota3A, %eq3A_554 : vector<16xi32>
      %slice3A_556 = vector.extract_strided_slice %sub3A_23 {offsets = [6], sizes = [1], strides = [1]} : vector<16xf32> to vector<1xf32>
      %squeeze3A_557 = vector.extract %slice3A_556[0] : f32 from vector<1xf32>
      %broadcast_in_dim3A_558 = vector.broadcast %squeeze3A_557 : f32 to vector<16xf32>
      %select_n3A_559 = arith.select %eq3A_555, %broadcast_in_dim3A_558, %get3A_552 : vector<16xi1>, vector<16xf32>
      %swap3A_560 = arith.index_cast %add3A_549 : i32 to index
      %swap3A_561 = tpu.vector_load %arg5[%swap3A_560] {strides = array<i32>} : memref<35840xf32, #tpu.memory_space<vmem>>, vector<16xf32>,
      %swap3A_562 = vector.shape_cast %swap3A_561 : vector<16xf32> to vector<16xf32>
      %swap3A_563 = vector.shape_cast %select_n3A_559 : vector<16xf32> to vector<16xf32>
      tpu.vector_store %arg5[%swap3A_560], %swap3A_563 {strides = array<i32>} : memref<35840xf32, #tpu.memory_space<vmem>>, vector<16xf32>,
      %add3A_564 = arith.constant 14336 : i32
      %add3A_565 = arith.addi %squeeze3A_531, %add3A_564 : i32
      %get3A_566 = arith.index_cast %add3A_565 : i32 to index
      %get3A_567 = tpu.vector_load %arg5[%get3A_566] {strides = array<i32>} : memref<35840xf32, #tpu.memory_space<vmem>>, vector<16xf32>,
      %get3A_568 = vector.shape_cast %get3A_567 : vector<16xf32> to vector<16xf32>
      %eq3A_569 = arith.constant 0 : i32
      %eq3A_570 = vector.broadcast %eq3A_569 : i32 to vector<16xi32>
      %eq3A_571 = arith.cmpi eq, %iota3A, %eq3A_570 : vector<16xi32>
      %slice3A_572 = vector.extract_strided_slice %get3A_26 {offsets = [6], sizes = [1], strides = [1]} : vector<16xf32> to vector<1xf32>
      %squeeze3A_573 = vector.extract %slice3A_572[0] : f32 from vector<1xf32>
      %broadcast_in_dim3A_574 = vector.broadcast %squeeze3A_573 : f32 to vector<16xf32>
      %select_n3A_575 = arith.select %eq3A_571, %broadcast_in_dim3A_574, %get3A_568 : vector<16xi1>, vector<16xf32>
      %swap3A_576 = arith.index_cast %add3A_565 : i32 to index
      %swap3A_577 = tpu.vector_load %arg5[%swap3A_576] {strides = array<i32>} : memref<35840xf32, #tpu.memory_space<vmem>>, vector<16xf32>,
      %swap3A_578 = vector.shape_cast %swap3A_577 : vector<16xf32> to vector<16xf32>
      %swap3A_579 = vector.shape_cast %select_n3A_575 : vector<16xf32> to vector<16xf32>
      tpu.vector_store %arg5[%swap3A_576], %swap3A_579 {strides = array<i32>} : memref<35840xf32, #tpu.memory_space<vmem>>, vector<16xf32>,
      %add3A_580 = arith.constant 21504 : i32
      %add3A_581 = arith.addi %squeeze3A_531, %add3A_580 : i32
      %get3A_582 = arith.index_cast %add3A_581 : i32 to index
      %get3A_583 = tpu.vector_load %arg5[%get3A_582] {strides = array<i32>} : memref<35840xf32, #tpu.memory_space<vmem>>, vector<16xf32>,
      %get3A_584 = vector.shape_cast %get3A_583 : vector<16xf32> to vector<16xf32>
      %eq3A_585 = arith.constant 0 : i32
      %eq3A_586 = vector.broadcast %eq3A_585 : i32 to vector<16xi32>
      %eq3A_587 = arith.cmpi eq, %iota3A, %eq3A_586 : vector<16xi32>
      %slice3A_588 = vector.extract_strided_slice %get3A_29 {offsets = [6], sizes = [1], strides = [1]} : vector<16xf32> to vector<1xf32>
      %squeeze3A_589 = vector.extract %slice3A_588[0] : f32 from vector<1xf32>
      %broadcast_in_dim3A_590 = vector.broadcast %squeeze3A_589 : f32 to vector<16xf32>
      %select_n3A_591 = arith.select %eq3A_587, %broadcast_in_dim3A_590, %get3A_584 : vector<16xi1>, vector<16xf32>
      %swap3A_592 = arith.index_cast %add3A_581 : i32 to index
      %swap3A_593 = tpu.vector_load %arg5[%swap3A_592] {strides = array<i32>} : memref<35840xf32, #tpu.memory_space<vmem>>, vector<16xf32>,
      %swap3A_594 = vector.shape_cast %swap3A_593 : vector<16xf32> to vector<16xf32>
      %swap3A_595 = vector.shape_cast %select_n3A_591 : vector<16xf32> to vector<16xf32>
      tpu.vector_store %arg5[%swap3A_592], %swap3A_595 {strides = array<i32>} : memref<35840xf32, #tpu.memory_space<vmem>>, vector<16xf32>,
      %add3A_596 = arith.constant 28672 : i32
      %add3A_597 = arith.addi %squeeze3A_531, %add3A_596 : i32
      %get3A_598 = arith.index_cast %add3A_597 : i32 to index
      %get3A_599 = tpu.vector_load %arg5[%get3A_598] {strides = array<i32>} : memref<35840xf32, #tpu.memory_space<vmem>>, vector<16xf32>,
      %get3A_600 = vector.shape_cast %get3A_599 : vector<16xf32> to vector<16xf32>
      %eq3A_601 = arith.constant 0 : i32
      %eq3A_602 = vector.broadcast %eq3A_601 : i32 to vector<16xi32>
      %eq3A_603 = arith.cmpi eq, %iota3A, %eq3A_602 : vector<16xi32>
      %slice3A_604 = vector.extract_strided_slice %broadcast_in_dim3A_42 {offsets = [6], sizes = [1], strides = [1]} : vector<16xf32> to vector<1xf32>
      %squeeze3A_605 = vector.extract %slice3A_604[0] : f32 from vector<1xf32>
      %broadcast_in_dim3A_606 = vector.broadcast %squeeze3A_605 : f32 to vector<16xf32>
      %select_n3A_607 = arith.select %eq3A_603, %broadcast_in_dim3A_606, %get3A_600 : vector<16xi1>, vector<16xf32>
      %swap3A_608 = arith.index_cast %add3A_597 : i32 to index
      %swap3A_609 = tpu.vector_load %arg5[%swap3A_608] {strides = array<i32>} : memref<35840xf32, #tpu.memory_space<vmem>>, vector<16xf32>,
      %swap3A_610 = vector.shape_cast %swap3A_609 : vector<16xf32> to vector<16xf32>
      %swap3A_611 = vector.shape_cast %select_n3A_607 : vector<16xf32> to vector<16xf32>
      tpu.vector_store %arg5[%swap3A_608], %swap3A_611 {strides = array<i32>} : memref<35840xf32, #tpu.memory_space<vmem>>, vector<16xf32>,
      %slice3A_612 = vector.extract_strided_slice %add3A_41 {offsets = [7], sizes = [1], strides = [1]} : vector<16xi32> to vector<1xi32>
      %squeeze3A_613 = vector.extract %slice3A_612[0] : i32 from vector<1xi32>
      %add3A_614 = arith.constant 0 : i32
      %add3A_615 = arith.addi %squeeze3A_613, %add3A_614 : i32
      %get3A_616 = arith.index_cast %add3A_615 : i32 to index
      %get3A_617 = tpu.vector_load %arg5[%get3A_616] {strides = array<i32>} : memref<35840xf32, #tpu.memory_space<vmem>>, vector<16xf32>,
      %get3A_618 = vector.shape_cast %get3A_617 : vector<16xf32> to vector<16xf32>
      %eq3A_619 = arith.constant 0 : i32
      %eq3A_620 = vector.broadcast %eq3A_619 : i32 to vector<16xi32>
      %eq3A_621 = arith.cmpi eq, %iota3A, %eq3A_620 : vector<16xi32>
      %slice3A_622 = vector.extract_strided_slice %sub3A {offsets = [7], sizes = [1], strides = [1]} : vector<16xf32> to vector<1xf32>
      %squeeze3A_623 = vector.extract %slice3A_622[0] : f32 from vector<1xf32>
      %broadcast_in_dim3A_624 = vector.broadcast %squeeze3A_623 : f32 to vector<16xf32>
      %select_n3A_625 = arith.select %eq3A_621, %broadcast_in_dim3A_624, %get3A_618 : vector<16xi1>, vector<16xf32>
      %swap3A_626 = arith.index_cast %add3A_615 : i32 to index
      %swap3A_627 = tpu.vector_load %arg5[%swap3A_626] {strides = array<i32>} : memref<35840xf32, #tpu.memory_space<vmem>>, vector<16xf32>,
      %swap3A_628 = vector.shape_cast %swap3A_627 : vector<16xf32> to vector<16xf32>
      %swap3A_629 = vector.shape_cast %select_n3A_625 : vector<16xf32> to vector<16xf32>
      tpu.vector_store %arg5[%swap3A_626], %swap3A_629 {strides = array<i32>} : memref<35840xf32, #tpu.memory_space<vmem>>, vector<16xf32>,
      %add3A_630 = arith.constant 7168 : i32
      %add3A_631 = arith.addi %squeeze3A_613, %add3A_630 : i32
      %get3A_632 = arith.index_cast %add3A_631 : i32 to index
      %get3A_633 = tpu.vector_load %arg5[%get3A_632] {strides = array<i32>} : memref<35840xf32, #tpu.memory_space<vmem>>, vector<16xf32>,
      %get3A_634 = vector.shape_cast %get3A_633 : vector<16xf32> to vector<16xf32>
      %eq3A_635 = arith.constant 0 : i32
      %eq3A_636 = vector.broadcast %eq3A_635 : i32 to vector<16xi32>
      %eq3A_637 = arith.cmpi eq, %iota3A, %eq3A_636 : vector<16xi32>
      %slice3A_638 = vector.extract_strided_slice %sub3A_23 {offsets = [7], sizes = [1], strides = [1]} : vector<16xf32> to vector<1xf32>
      %squeeze3A_639 = vector.extract %slice3A_638[0] : f32 from vector<1xf32>
      %broadcast_in_dim3A_640 = vector.broadcast %squeeze3A_639 : f32 to vector<16xf32>
      %select_n3A_641 = arith.select %eq3A_637, %broadcast_in_dim3A_640, %get3A_634 : vector<16xi1>, vector<16xf32>
      %swap3A_642 = arith.index_cast %add3A_631 : i32 to index
      %swap3A_643 = tpu.vector_load %arg5[%swap3A_642] {strides = array<i32>} : memref<35840xf32, #tpu.memory_space<vmem>>, vector<16xf32>,
      %swap3A_644 = vector.shape_cast %swap3A_643 : vector<16xf32> to vector<16xf32>
      %swap3A_645 = vector.shape_cast %select_n3A_641 : vector<16xf32> to vector<16xf32>
      tpu.vector_store %arg5[%swap3A_642], %swap3A_645 {strides = array<i32>} : memref<35840xf32, #tpu.memory_space<vmem>>, vector<16xf32>,
      %add3A_646 = arith.constant 14336 : i32
      %add3A_647 = arith.addi %squeeze3A_613, %add3A_646 : i32
      %get3A_648 = arith.index_cast %add3A_647 : i32 to index
      %get3A_649 = tpu.vector_load %arg5[%get3A_648] {strides = array<i32>} : memref<35840xf32, #tpu.memory_space<vmem>>, vector<16xf32>,
      %get3A_650 = vector.shape_cast %get3A_649 : vector<16xf32> to vector<16xf32>
      %eq3A_651 = arith.constant 0 : i32
      %eq3A_652 = vector.broadcast %eq3A_651 : i32 to vector<16xi32>
      %eq3A_653 = arith.cmpi eq, %iota3A, %eq3A_652 : vector<16xi32>
      %slice3A_654 = vector.extract_strided_slice %get3A_26 {offsets = [7], sizes = [1], strides = [1]} : vector<16xf32> to vector<1xf32>
      %squeeze3A_655 = vector.extract %slice3A_654[0] : f32 from vector<1xf32>
      %broadcast_in_dim3A_656 = vector.broadcast %squeeze3A_655 : f32 to vector<16xf32>
      %select_n3A_657 = arith.select %eq3A_653, %broadcast_in_dim3A_656, %get3A_650 : vector<16xi1>, vector<16xf32>
      %swap3A_658 = arith.index_cast %add3A_647 : i32 to index
      %swap3A_659 = tpu.vector_load %arg5[%swap3A_658] {strides = array<i32>} : memref<35840xf32, #tpu.memory_space<vmem>>, vector<16xf32>,
      %swap3A_660 = vector.shape_cast %swap3A_659 : vector<16xf32> to vector<16xf32>
      %swap3A_661 = vector.shape_cast %select_n3A_657 : vector<16xf32> to vector<16xf32>
      tpu.vector_store %arg5[%swap3A_658], %swap3A_661 {strides = array<i32>} : memref<35840xf32, #tpu.memory_space<vmem>>, vector<16xf32>,
      %add3A_662 = arith.constant 21504 : i32
      %add3A_663 = arith.addi %squeeze3A_613, %add3A_662 : i32
      %get3A_664 = arith.index_cast %add3A_663 : i32 to index
      %get3A_665 = tpu.vector_load %arg5[%get3A_664] {strides = array<i32>} : memref<35840xf32, #tpu.memory_space<vmem>>, vector<16xf32>,
      %get3A_666 = vector.shape_cast %get3A_665 : vector<16xf32> to vector<16xf32>
      %eq3A_667 = arith.constant 0 : i32
      %eq3A_668 = vector.broadcast %eq3A_667 : i32 to vector<16xi32>
      %eq3A_669 = arith.cmpi eq, %iota3A, %eq3A_668 : vector<16xi32>
      %slice3A_670 = vector.extract_strided_slice %get3A_29 {offsets = [7], sizes = [1], strides = [1]} : vector<16xf32> to vector<1xf32>
      %squeeze3A_671 = vector.extract %slice3A_670[0] : f32 from vector<1xf32>
      %broadcast_in_dim3A_672 = vector.broadcast %squeeze3A_671 : f32 to vector<16xf32>
      %select_n3A_673 = arith.select %eq3A_669, %broadcast_in_dim3A_672, %get3A_666 : vector<16xi1>, vector<16xf32>
      %swap3A_674 = arith.index_cast %add3A_663 : i32 to index
      %swap3A_675 = tpu.vector_load %arg5[%swap3A_674] {strides = array<i32>} : memref<35840xf32, #tpu.memory_space<vmem>>, vector<16xf32>,
      %swap3A_676 = vector.shape_cast %swap3A_675 : vector<16xf32> to vector<16xf32>
      %swap3A_677 = vector.shape_cast %select_n3A_673 : vector<16xf32> to vector<16xf32>
      tpu.vector_store %arg5[%swap3A_674], %swap3A_677 {strides = array<i32>} : memref<35840xf32, #tpu.memory_space<vmem>>, vector<16xf32>,
      %add3A_678 = arith.constant 28672 : i32
      %add3A_679 = arith.addi %squeeze3A_613, %add3A_678 : i32
      %get3A_680 = arith.index_cast %add3A_679 : i32 to index
      %get3A_681 = tpu.vector_load %arg5[%get3A_680] {strides = array<i32>} : memref<35840xf32, #tpu.memory_space<vmem>>, vector<16xf32>,
      %get3A_682 = vector.shape_cast %get3A_681 : vector<16xf32> to vector<16xf32>
      %eq3A_683 = arith.constant 0 : i32
      %eq3A_684 = vector.broadcast %eq3A_683 : i32 to vector<16xi32>
      %eq3A_685 = arith.cmpi eq, %iota3A, %eq3A_684 : vector<16xi32>
      %slice3A_686 = vector.extract_strided_slice %broadcast_in_dim3A_42 {offsets = [7], sizes = [1], strides = [1]} : vector<16xf32> to vector<1xf32>
      %squeeze3A_687 = vector.extract %slice3A_686[0] : f32 from vector<1xf32>
      %broadcast_in_dim3A_688 = vector.broadcast %squeeze3A_687 : f32 to vector<16xf32>
      %select_n3A_689 = arith.select %eq3A_685, %broadcast_in_dim3A_688, %get3A_682 : vector<16xi1>, vector<16xf32>
      %swap3A_690 = arith.index_cast %add3A_679 : i32 to index
      %swap3A_691 = tpu.vector_load %arg5[%swap3A_690] {strides = array<i32>} : memref<35840xf32, #tpu.memory_space<vmem>>, vector<16xf32>,
      %swap3A_692 = vector.shape_cast %swap3A_691 : vector<16xf32> to vector<16xf32>
      %swap3A_693 = vector.shape_cast %select_n3A_689 : vector<16xf32> to vector<16xf32>
      tpu.vector_store %arg5[%swap3A_690], %swap3A_693 {strides = array<i32>} : memref<35840xf32, #tpu.memory_space<vmem>>, vector<16xf32>,
      "tpu.region"() ({
        %run_scoped3A = tpu.sem_alloc : memref<!tpu.dma_semaphore, #tpu.memory_space<semaphore_mem>>
        %dma_start3A = arith.constant 0 : i32
        %dma_start3A_694 = tpu.memref_slice %arg3[%add3A, %dma_start3A] : memref<8x35840xf32, #tpu.memory_space<hbm>> -> memref<1x35840xf32, #tpu.memory_space<hbm>>
        %dma_start3A_695 = tpu.memref_squeeze %dma_start3A_694 : memref<1x35840xf32, #tpu.memory_space<hbm>> -> memref<35840xf32, #tpu.memory_space<hbm>>
        %dma_start3A_696 = arith.constant 0 : i32
        %dma_start3A_697 = tpu.memref_slice %arg3[%add3A, %dma_start3A_696] : memref<8x35840xf32, #tpu.memory_space<hbm>> -> memref<1x35840xf32, #tpu.memory_space<hbm>>
        %dma_start3A_698 = tpu.memref_squeeze %dma_start3A_697 : memref<1x35840xf32, #tpu.memory_space<hbm>> -> memref<35840xf32, #tpu.memory_space<hbm>>
        tpu.enqueue_dma source(%arg5 : memref<35840xf32, #tpu.memory_space<vmem>>) target(%dma_start3A_698 : memref<35840xf32, #tpu.memory_space<hbm>>) target_semaphore(%run_scoped3A : memref<!tpu.dma_semaphore, #tpu.memory_space<semaphore_mem>>)
        %dma_wait3A = arith.constant 0 : i32
        %dma_wait3A_699 = tpu.memref_slice %arg3[%add3A, %dma_wait3A] : memref<8x35840xf32, #tpu.memory_space<hbm>> -> memref<1x35840xf32, #tpu.memory_space<hbm>>
        %dma_wait3A_700 = tpu.memref_squeeze %dma_wait3A_699 : memref<1x35840xf32, #tpu.memory_space<hbm>> -> memref<35840xf32, #tpu.memory_space<hbm>>
        %dma_wait3A_701 = arith.constant 0 : i32
        %dma_wait3A_702 = tpu.memref_slice %arg3[%add3A, %dma_wait3A_701] : memref<8x35840xf32, #tpu.memory_space<hbm>> -> memref<1x35840xf32, #tpu.memory_space<hbm>>
        %dma_wait3A_703 = tpu.memref_squeeze %dma_wait3A_702 : memref<1x35840xf32, #tpu.memory_space<hbm>> -> memref<35840xf32, #tpu.memory_space<hbm>>
        tpu.wait_dma2 semaphore(%run_scoped3A : memref<!tpu.dma_semaphore, #tpu.memory_space<semaphore_mem>>) src(%arg5 : memref<35840xf32, #tpu.memory_space<vmem>>) dst(%dma_wait3A_703 : memref<35840xf32, #tpu.memory_space<hbm>>)
        tpu.yield
      }) : () -> ()
    } else {
    }
    return
  }
}

module attributes {stable_mosaic.version = 14 : i64} {
  func.func @_loss_body(%arg0: i32, %arg1: i32, %arg2: memref<1x5x56x128xf32, #tpu.memory_space<vmem>>, %arg3: memref<1x1x85x52x52xf32, #tpu.memory_space<vmem>>, %arg4: memref<1x1xf32, #tpu.memory_space<vmem>>) attributes {dimension_semantics = [#tpu.dimension_semantics<arbitrary>, #tpu.dimension_semantics<arbitrary>], iteration_bounds = array<i64: 24, 4>, scalar_prefetch = 0 : i64, scratch_operands = 0 : i64, tpu.core_type = #tpu.core_type<tc>, window_params = [{transform_indices = @transform_0, window_bounds = array<i64: 1, 5, 56, 128>}, {transform_indices = @transform_1, window_bounds = array<i64: 1, 1, 85, 52, 52>}, {pipeline_mode = #tpu.pipeline_mode<synchronous>, transform_indices = @transform_2, window_bounds = array<i64: 1, 1>}]} {
    %get3A = arith.constant 0 : index
    %get3A_0 = arith.constant 0 : index
    %get3A_1 = arith.constant 0 : index
    %get3A_2 = arith.constant 0 : index
    %get3A_3 = arith.constant 0 : index
    %get3A_4 = vector.load %arg3[%get3A, %get3A_0, %get3A_1, %get3A_2, %get3A_3] : memref<1x1x85x52x52xf32, #tpu.memory_space<vmem>>, vector<1x1x85x52x52xf32>
    %get3A_5 = vector.shape_cast %get3A_4 : vector<1x1x85x52x52xf32> to vector<85x52x52xf32>
    %exp3A = math.exp %get3A_5 : vector<85x52x52xf32>
    %get3A_6 = arith.constant 0 : index
    %get3A_7 = arith.constant 0 : index
    %get3A_8 = arith.constant 0 : index
    %get3A_9 = arith.constant 0 : index
    %get3A_10 = vector.load %arg2[%get3A_6, %get3A_7, %get3A_8, %get3A_9] : memref<1x5x56x128xf32, #tpu.memory_space<vmem>>, vector<1x4x52x52xf32>
    %get3A_11 = vector.shape_cast %get3A_10 : vector<1x4x52x52xf32> to vector<4x52x52xf32>
    %get3A_12 = arith.constant 0 : index
    %get3A_13 = arith.constant 4 : index
    %get3A_14 = arith.constant 0 : index
    %get3A_15 = arith.constant 0 : index
    %get3A_16 = vector.load %arg2[%get3A_12, %get3A_13, %get3A_14, %get3A_15] : memref<1x5x56x128xf32, #tpu.memory_space<vmem>>, vector<1x1x52x52xf32>
    %get3A_17 = vector.shape_cast %get3A_16 : vector<1x1x52x52xf32> to vector<1x52x52xf32>
    %slice3A = vector.extract_strided_slice %get3A_5 {offsets = [0, 0, 0], sizes = [4, 52, 52], strides = [1, 1, 1]} : vector<85x52x52xf32> to vector<4x52x52xf32>
    %sub3A = arith.subf %slice3A, %get3A_11 : vector<4x52x52xf32>
    %mul3A = arith.mulf %sub3A, %sub3A : vector<4x52x52xf32>
    %reduce_sum3A = vector.shape_cast %mul3A : vector<4x52x52xf32> to vector<1x4x52x52xf32>
    %reduce_sum3A_18 = arith.constant dense<0.000000e+00> : vector<1xf32>
    %reduce_sum3A_19 = vector.multi_reduction <add>, %reduce_sum3A, %reduce_sum3A_18 [1, 2, 3] : vector<1x4x52x52xf32> to vector<1xf32>
    %reduce_sum3A_20 = vector.shape_cast %reduce_sum3A_19 : vector<1xf32> to vector<1x1x1x1xf32>
    %reduce_sum3A_21 = vector.extract %reduce_sum3A_20[0, 0, 0, 0] : f32 from vector<1x1x1x1xf32>
    %slice3A_22 = vector.extract_strided_slice %exp3A {offsets = [4, 0, 0], sizes = [1, 52, 52], strides = [1, 1, 1]} : vector<85x52x52xf32> to vector<1x52x52xf32>
    %log1p3A = math.log1p %slice3A_22 : vector<1x52x52xf32>
    %slice3A_23 = vector.extract_strided_slice %get3A_5 {offsets = [4, 0, 0], sizes = [1, 52, 52], strides = [1, 1, 1]} : vector<85x52x52xf32> to vector<1x52x52xf32>
    %mul3A_24 = arith.mulf %get3A_17, %slice3A_23 : vector<1x52x52xf32>
    %sub3A_25 = arith.subf %log1p3A, %mul3A_24 : vector<1x52x52xf32>
    %reduce_sum3A_26 = vector.shape_cast %sub3A_25 : vector<1x52x52xf32> to vector<1x1x52x52xf32>
    %reduce_sum3A_27 = arith.constant dense<0.000000e+00> : vector<1xf32>
    %reduce_sum3A_28 = vector.multi_reduction <add>, %reduce_sum3A_26, %reduce_sum3A_27 [1, 2, 3] : vector<1x1x52x52xf32> to vector<1xf32>
    %reduce_sum3A_29 = vector.shape_cast %reduce_sum3A_28 : vector<1xf32> to vector<1x1x1x1xf32>
    %reduce_sum3A_30 = vector.extract %reduce_sum3A_29[0, 0, 0, 0] : f32 from vector<1x1x1x1xf32>
    %add3A = arith.addf %reduce_sum3A_21, %reduce_sum3A_30 : f32
    %iota3A = tpu.iota {dimensions = array<i32: 0>} : vector<85x1x1xi32>
    %ge3A = arith.constant 5 : i32
    %ge3A_31 = vector.broadcast %ge3A : i32 to vector<85x1x1xi32>
    %ge3A_32 = arith.cmpi sge, %iota3A, %ge3A_31 : vector<85x1x1xi32>
    %jit3A = arith.constant 0.000000e+00 : f32
    %broadcast_in_dim3A = vector.shape_cast %ge3A_32 : vector<85x1x1xi1> to vector<85x1x1xi1>
    %broadcast_in_dim3A_33 = vector.broadcast %broadcast_in_dim3A : vector<85x1x1xi1> to vector<85x52x52xi1>
    %broadcast_in_dim3A_34 = vector.broadcast %jit3A : f32 to vector<85x52x52xf32>
    %select_n3A = arith.select %broadcast_in_dim3A_33, %exp3A, %broadcast_in_dim3A_34 : vector<85x52x52xi1>, vector<85x52x52xf32>
    %reduce_sum3A_35 = arith.constant dense<0.000000e+00> : vector<52x52xf32>
    %reduce_sum3A_36 = vector.multi_reduction <add>, %select_n3A, %reduce_sum3A_35 [0] : vector<85x52x52xf32> to vector<52x52xf32>
    %log3A = math.log %reduce_sum3A_36 : vector<52x52xf32>
    %reduce_sum3A_37 = vector.shape_cast %log3A : vector<52x52xf32> to vector<1x52x52xf32>
    %reduce_sum3A_38 = arith.constant dense<0.000000e+00> : vector<1xf32>
    %reduce_sum3A_39 = vector.multi_reduction <add>, %reduce_sum3A_37, %reduce_sum3A_38 [1, 2] : vector<1x52x52xf32> to vector<1xf32>
    %reduce_sum3A_40 = vector.shape_cast %reduce_sum3A_39 : vector<1xf32> to vector<1x1x1xf32>
    %reduce_sum3A_41 = vector.extract %reduce_sum3A_40[0, 0, 0] : f32 from vector<1x1x1xf32>
    %slice3A_42 = vector.extract_strided_slice %get3A_5 {offsets = [5, 0, 0], sizes = [1, 52, 52], strides = [1, 1, 1]} : vector<85x52x52xf32> to vector<1x52x52xf32>
    %reduce_sum3A_43 = vector.shape_cast %slice3A_42 : vector<1x52x52xf32> to vector<1x1x52x52xf32>
    %reduce_sum3A_44 = arith.constant dense<0.000000e+00> : vector<1xf32>
    %reduce_sum3A_45 = vector.multi_reduction <add>, %reduce_sum3A_43, %reduce_sum3A_44 [1, 2, 3] : vector<1x1x52x52xf32> to vector<1xf32>
    %reduce_sum3A_46 = vector.shape_cast %reduce_sum3A_45 : vector<1xf32> to vector<1x1x1x1xf32>
    %reduce_sum3A_47 = vector.extract %reduce_sum3A_46[0, 0, 0, 0] : f32 from vector<1x1x1x1xf32>
    %sub3A_48 = arith.subf %reduce_sum3A_41, %reduce_sum3A_47 : f32
    %add3A_49 = arith.addf %add3A, %sub3A_48 : f32
    %eq3A = arith.constant 0 : i32
    %eq3A_50 = arith.cmpi eq, %arg0, %eq3A : i32
    %eq3A_51 = arith.constant 0 : i32
    %eq3A_52 = arith.cmpi eq, %arg1, %eq3A_51 : i32
    %and3A = arith.andi %eq3A_50, %eq3A_52 : i1
    %convert_element_type3A = arith.extui %and3A : i1 to i32
    %cond3A = arith.constant 0 : i32
    %cond3A_53 = arith.cmpi ne, %convert_element_type3A, %cond3A : i32
    scf.if %cond3A_53 {
      %broadcast_in_dim3A_69 = arith.constant 0.000000e+00 : f32
      %broadcast_in_dim3A_70 = vector.broadcast %broadcast_in_dim3A_69 : f32 to vector<1x1xf32>
      %swap3A_71 = arith.constant 0 : index
      %swap3A_72 = arith.constant 0 : index
      %swap3A_73 = vector.load %arg4[%swap3A_71, %swap3A_72] : memref<1x1xf32, #tpu.memory_space<vmem>>, vector<1x1xf32>
      tpu.vector_store %arg4[%swap3A_71, %swap3A_72], %broadcast_in_dim3A_70 {strides = array<i32>} : memref<1x1xf32, #tpu.memory_space<vmem>>, vector<1x1xf32>,
    } else {
    }
    %get3A_54 = arith.constant 0 : index
    %get3A_55 = arith.constant 0 : index
    %get3A_56 = vector.load %arg4[%get3A_54, %get3A_55] : memref<1x1xf32, #tpu.memory_space<vmem>>, vector<1x1xf32>
    %add3A_57 = vector.broadcast %add3A_49 : f32 to vector<1x1xf32>
    %add3A_58 = arith.addf %get3A_56, %add3A_57 : vector<1x1xf32>
    %swap3A = arith.constant 0 : index
    %swap3A_59 = arith.constant 0 : index
    %swap3A_60 = vector.load %arg4[%swap3A, %swap3A_59] : memref<1x1xf32, #tpu.memory_space<vmem>>, vector<1x1xf32>
    tpu.vector_store %arg4[%swap3A, %swap3A_59], %add3A_58 {strides = array<i32>} : memref<1x1xf32, #tpu.memory_space<vmem>>, vector<1x1xf32>,
    %eq3A_61 = arith.constant 23 : i32
    %eq3A_62 = arith.cmpi eq, %arg0, %eq3A_61 : i32
    %eq3A_63 = arith.constant 3 : i32
    %eq3A_64 = arith.cmpi eq, %arg1, %eq3A_63 : i32
    %and3A_65 = arith.andi %eq3A_62, %eq3A_64 : i1
    %convert_element_type3A_66 = arith.extui %and3A_65 : i1 to i32
    %cond3A_67 = arith.constant 0 : i32
    %cond3A_68 = arith.cmpi ne, %convert_element_type3A_66, %cond3A_67 : i32
    scf.if %cond3A_68 {
      %get3A_69 = arith.constant 0 : index
      %get3A_70 = arith.constant 0 : index
      %get3A_71 = vector.load %arg4[%get3A_69, %get3A_70] : memref<1x1xf32, #tpu.memory_space<vmem>>, vector<1x1xf32>
      %mul3A_72 = arith.constant 1.250000e-01 : f32
      %mul3A_73 = vector.broadcast %mul3A_72 : f32 to vector<1x1xf32>
      %mul3A_74 = arith.mulf %get3A_71, %mul3A_73 : vector<1x1xf32>
      %swap3A_75 = arith.constant 0 : index
      %swap3A_76 = arith.constant 0 : index
      %swap3A_77 = vector.load %arg4[%swap3A_75, %swap3A_76] : memref<1x1xf32, #tpu.memory_space<vmem>>, vector<1x1xf32>
      tpu.vector_store %arg4[%swap3A_75, %swap3A_76], %mul3A_74 {strides = array<i32>} : memref<1x1xf32, #tpu.memory_space<vmem>>, vector<1x1xf32>,
    } else {
    }
    return
  }
  func.func @transform_0(%arg0: i32, %arg1: i32) -> (i32, i32, i32, i32) {
    %jit3A = arith.constant 8 : i32
    %eq3A = arith.constant 0 : i32
    %eq3A_0 = arith.cmpi eq, %jit3A, %eq3A : i32
    %jit3A_1 = arith.constant 1 : i32
    %select_n3A = arith.select %eq3A_0, %jit3A_1, %jit3A : i32
    %rem3A = arith.remsi %arg0, %select_n3A : i32
    %ne3A = arith.constant 0 : i32
    %ne3A_2 = arith.cmpi ne, %rem3A, %ne3A : i32
    %lt3A = arith.constant 0 : i32
    %lt3A_3 = arith.cmpi slt, %rem3A, %lt3A : i32
    %lt3A_4 = arith.constant 0 : i32
    %lt3A_5 = arith.cmpi slt, %select_n3A, %lt3A_4 : i32
    %ne3A_6 = arith.xori %lt3A_3, %lt3A_5 : i1
    %and3A = arith.andi %ne3A_6, %ne3A_2 : i1
    %add3A = arith.addi %rem3A, %select_n3A : i32
    %select_n3A_7 = arith.select %and3A, %add3A, %rem3A : i32
    %c0_i32 = arith.constant 0 : i32
    %c0_i32_8 = arith.constant 0 : i32
    %c0_i32_9 = arith.constant 0 : i32
    %c0_i32_10 = arith.constant 0 : i32
    return %select_n3A_7, %c0_i32, %c0_i32_8, %c0_i32_9 : i32, i32, i32, i32
  }
  func.func @transform_1(%arg0: i32, %arg1: i32) -> (i32, i32, i32, i32, i32) {
    %jit3A = arith.constant 8 : i32
    %div3A = arith.divsi %arg0, %jit3A : i32
    %sign3A = arith.constant 0 : i32
    %sign3A_0 = arith.cmpi sgt, %arg0, %sign3A : i32
    %sign3A_1 = arith.extui %sign3A_0 : i1 to i32
    %sign3A_2 = arith.constant 0 : i32
    %sign3A_3 = arith.cmpi slt, %arg0, %sign3A_2 : i32
    %sign3A_4 = arith.extui %sign3A_3 : i1 to i32
    %sign3A_5 = arith.subi %sign3A_1, %sign3A_4 : i32
    %sign3A_6 = arith.constant 0 : i32
    %sign3A_7 = arith.cmpi sgt, %jit3A, %sign3A_6 : i32
    %sign3A_8 = arith.extui %sign3A_7 : i1 to i32
    %sign3A_9 = arith.constant 0 : i32
    %sign3A_10 = arith.cmpi slt, %jit3A, %sign3A_9 : i32
    %sign3A_11 = arith.extui %sign3A_10 : i1 to i32
    %sign3A_12 = arith.subi %sign3A_8, %sign3A_11 : i32
    %ne3A = arith.cmpi ne, %sign3A_5, %sign3A_12 : i32
    %rem3A = arith.remsi %arg0, %jit3A : i32
    %ne3A_13 = arith.constant 0 : i32
    %ne3A_14 = arith.cmpi ne, %rem3A, %ne3A_13 : i32
    %and3A = arith.andi %ne3A, %ne3A_14 : i1
    %sub3A = arith.constant 1 : i32
    %sub3A_15 = arith.subi %div3A, %sub3A : i32
    %select_n3A = arith.select %and3A, %sub3A_15, %div3A : i32
    %jit3A_16 = arith.constant 8 : i32
    %eq3A = arith.constant 0 : i32
    %eq3A_17 = arith.cmpi eq, %jit3A_16, %eq3A : i32
    %jit3A_18 = arith.constant 1 : i32
    %select_n3A_19 = arith.select %eq3A_17, %jit3A_18, %jit3A_16 : i32
    %rem3A_20 = arith.remsi %arg0, %select_n3A_19 : i32
    %ne3A_21 = arith.constant 0 : i32
    %ne3A_22 = arith.cmpi ne, %rem3A_20, %ne3A_21 : i32
    %lt3A = arith.constant 0 : i32
    %lt3A_23 = arith.cmpi slt, %rem3A_20, %lt3A : i32
    %lt3A_24 = arith.constant 0 : i32
    %lt3A_25 = arith.cmpi slt, %select_n3A_19, %lt3A_24 : i32
    %ne3A_26 = arith.xori %lt3A_23, %lt3A_25 : i1
    %and3A_27 = arith.andi %ne3A_26, %ne3A_22 : i1
    %add3A = arith.addi %rem3A_20, %select_n3A_19 : i32
    %select_n3A_28 = arith.select %and3A_27, %add3A, %rem3A_20 : i32
    %c0_i32 = arith.constant 0 : i32
    %c0_i32_29 = arith.constant 0 : i32
    %c0_i32_30 = arith.constant 0 : i32
    return %select_n3A, %select_n3A_28, %arg1, %c0_i32, %c0_i32_29 : i32, i32, i32, i32, i32
  }
  func.func @transform_2(%arg0: i32, %arg1: i32) -> (i32, i32) {
    %c0_i32 = arith.constant 0 : i32
    %c0_i32_0 = arith.constant 0 : i32
    %c0_i32_1 = arith.constant 0 : i32
    return %c0_i32, %c0_i32_0 : i32, i32
  }
}

</mosaic_0001>

<sc_bundles>
// kernel: kernel.4.cloned.1.call-start
scs
__scs_entry_jumppad:
0x0: {  	(pc) =	sbr.rel $0x88, $3  }
0x1: {  	(tag) =	ssettag $0x0;
	lr =	simm.s32 $0x1  }
0x2: {  	[smem:$0x3F9F] =	sst lr;
	_ =	strace $0xD0000000  }
0x3: {  	_ = 	snop  }
0x4: {  	_ = 	snop  }
0x5: {  	_ = 	snop  }
0x6: {  	_ = 	snop  }
0x7: {  	_ = 	snop  }
__scs_overlays_trampoline_lowered:
0x8: {  	[smem:$0x3FAE] =	sst s0  }
0x9: {  	[smem:$0x3FAF] =	sst s1  }
0xa: {  	[smem:$0x3FB0] =	sst s2  }
0xb: {  	[smem:$0x3FB1] =	sst s3  }
0xc: {  	[smem:$0x3FB2] =	sst s4  }
0xd: {  	[smem:$0x3FB3] =	sst s5  }
0xe: {  	[smem:$0x3FB4] =	sst s6  }
0xf: {  	[smem:$0x3FB5] =	sst s7  }
0x10: {  	[smem:$0x3FB6] =	sst s8  }
0x11: {  	[smem:$0x3FB7] =	sst s9;
	s0 =	simm.s32 @!p0 $0x0  }
0x12: {  	s1 =	sld [smem:$0x3F9D];
	s0 =	simm.s32 @p0 $0x1  }
0x13: {  	[smem:$0x3FB8] =	sst s0;
	s0 =	simm.s32 @!p1 $0x0  }
0x14: {  	s2 =	sld [smem:$0x3F9C];
	s0 =	simm.s32 @p1 $0x1  }
0x15: {  	[smem:$0x3FB9] =	sst s0;
	s0 =	simm.s32 @!p2 $0x0  }
0x16: {  	s3 =	sld [smem:$0x3FDB];
	s0 =	simm.s32 @p2 $0x1  }
0x17: {  	s4 =	simm.s32 $0x1BF5;
	[smem:$0x3FBB] =	sst s0  }
0x18: {  	s0 =	sld [smem:$0x3F9E];
	_ =	swait.ge [sflag:s4], $0x0  }
0x19: {  	s7 =	sld [smem:$0x3F9F]  }
0x1a: {  	s8 =	sadd.s32 $0xFFFFE003, lr  }
0x1b: {  	s9 =	sadd.s32 $0xFFFFFEF7, lr;
	s5 =	simm.s32 $0xFFFFFFFF;
	p2 =	slt.u32 s8, $0xFFFFF086  }
0x1c: {  	p1 =	slt.u32 s9, $0xF7A;
	s5 =	simm.s32 @!p2 $0x0  }
0x1d: {  	s5 =	simm.s32 @p1 $0x1;
	p0 =	seq.s32 s7, s2  }
0x1e: {  	s7 =	smul.u32 @!p0 $0xF7A, s2;
	p2 =	seq.s32 @!p0 s5, $0x0  }
0x1f: {  	s9 =	smul.u32 $0xF7A, s1;
	s8 =	simm.s32 @!p0 $0x1BF5;
	p2 =	por !p2, p0  }
0x20: {  	[sflag:s8] =	ssyncset.s32 @!p0 $0xFFFFF086;
	s6 =	sadd.s32 @!p0 s3, s7;
	s7 =	simm.s32 @!p0 $0x108  }
0x21: {  	s3 =	sadd.s32 s3, s9;
	s6 =	sadd.s32 @!p0 $0x88, s6;
	s7 =	simm.s32 @p2 $0x1082  }
0x22: {  	[simem:s7], [sflag:s8] =	dma.local @!p0 [hbm:s6], $0xF7A  }
0x23: {  	s9 =	sor.u32 $0xD0000000, s2;
	s6 =	simm.s32 $0x108;
	_ =	swait.ge @!p0 [sflag:s8], $0x0  }
0x24: {  	s3 =	sadd.s32 $0x88, s3;
	s6 =	simm.s32 @!p1 $0x1082;
	[sflag:s4] =	ssyncset.s32 $0xFFFFF086  }
0x25: {  	[simem:s6], [sflag:s4] =	dma.local [hbm:s3], $0xF7A  }
0x26: {  	[smem:$0x3F9F] =	sst s1;
	(tag) =	ssettag s2;
	_ =	strace s9  }
0x27: {  	s1 =	sld [smem:$0x3FAF]  }
0x28: {  	s2 =	sld [smem:$0x3FB0]  }
0x29: {  	s4 =	sld [smem:$0x3FB2]  }
0x2a: {  	p0 =	seq.s32 s5, $0x0;
	s5 =	sld [smem:$0x3FB3]  }
0x2b: {  	s6 =	sld [smem:$0x3FB4]  }
0x2c: {  	s7 =	sld [smem:$0x3FB5]  }
0x2d: {  	s3 =	simm.s32 $0x108;
	s8 =	sld [smem:$0x3FB6]  }
0x2e: {  	s3 =	simm.s32 @!p0 $0x1082;
	s9 =	sld [smem:$0x3FB7]  }
0x2f: {  	lr =	sadd.s32 s0, s3;
	s0 =	sld [smem:$0x3FAE]  }
0x30: {  	s3 =	sld [smem:$0x3FB1]  }
0x31: {  	[smem:$0x3FBA] =	sst s10  }
0x32: {  	s10 =	sld [smem:$0x3FB8];
	_ =	sdelay $0x3  }
0x33: {  	p0 =	seq.s32 s10, $0x1;
	s10 =	sld [smem:$0x3FBA];
	_ =	sdelay $0x3  }
0x34: {  	[smem:$0x3FBA] =	sst s10  }
0x35: {  	s10 =	sld [smem:$0x3FB9];
	_ =	sdelay $0x3  }
0x36: {  	p1 =	seq.s32 s10, $0x1;
	s10 =	sld [smem:$0x3FBA];
	_ =	sdelay $0x3  }
0x37: {  	[smem:$0x3FBA] =	sst s10  }
0x38: {  	s10 =	sld [smem:$0x3FBB]  }
0x39: {  	_ = 	snop;
	(pc) =	sbr.ind lr, $3  }
0x3a: {  	_ = 	snop  }
0x3b: {  	_ = 	snop  }
0x3c: {  	p2 =	seq.s32 s10, $0x1;
	s10 =	sld [smem:$0x3FBA]  }
0x3d: {  	_ =	shalt  }
0x3e: {  	_ =	shalt  }
0x3f: {  	_ =	shalt  }
0x40: {  	_ =	shalt  }
0x41: {  	_ =	shalt  }
0x42: {  	_ =	shalt  }
0x43: {  	_ =	shalt  }
0x44: {  	_ =	shalt  }
0x45: {  	_ =	shalt  }
0x46: {  	_ =	shalt  }
0x47: {  	_ =	shalt  }
0x48: {  	_ =	shalt  }
0x49: {  	_ =	shalt  }
0x4a: {  	_ =	shalt  }
0x4b: {  	_ =	shalt  }
0x4c: {  	_ =	shalt  }
0x4d: {  	_ =	shalt  }
0x4e: {  	_ =	shalt  }
0x4f: {  	_ =	shalt  }
0x50: {  	_ =	shalt  }
0x51: {  	_ =	shalt  }
0x52: {  	_ =	shalt  }
0x53: {  	_ =	shalt  }
0x54: {  	_ =	shalt  }
0x55: {  	_ =	shalt  }
0x56: {  	_ =	shalt  }
0x57: {  	_ =	shalt  }
0x58: {  	_ =	shalt  }
0x59: {  	_ =	shalt  }
0x5a: {  	_ =	shalt  }
0x5b: {  	_ =	shalt  }
0x5c: {  	_ =	shalt  }
0x5d: {  	_ =	shalt  }
0x5e: {  	_ =	shalt  }
0x5f: {  	_ =	shalt  }
0x60: {  	_ =	shalt  }
0x61: {  	_ =	shalt  }
0x62: {  	_ =	shalt  }
0x63: {  	_ =	shalt  }
0x64: {  	_ =	shalt  }
0x65: {  	_ =	shalt  }
0x66: {  	_ =	shalt  }
0x67: {  	_ =	shalt  }
0x68: {  	_ =	shalt  }
0x69: {  	_ =	shalt  }
0x6a: {  	_ =	shalt  }
0x6b: {  	_ =	shalt  }
0x6c: {  	_ =	shalt  }
0x6d: {  	_ =	shalt  }
0x6e: {  	_ =	shalt  }
0x6f: {  	_ =	shalt  }
0x70: {  	_ =	shalt  }
0x71: {  	_ =	shalt  }
0x72: {  	_ =	shalt  }
0x73: {  	_ =	shalt  }
0x74: {  	_ =	shalt  }
0x75: {  	_ =	shalt  }
0x76: {  	_ =	shalt  }
0x77: {  	_ =	shalt  }
0x78: {  	_ =	shalt  }
0x79: {  	_ =	shalt  }
0x7a: {  	_ =	shalt  }
0x7b: {  	_ =	shalt  }
0x7c: {  	_ =	shalt  }
0x7d: {  	_ =	shalt  }
0x7e: {  	_ =	shalt  }
0x7f: {  	_ =	shalt  }
0x80: {  	_ =	shalt  }
0x81: {  	_ =	shalt  }
0x82: {  	_ =	shalt  }
0x83: {  	_ =	shalt  }
0x84: {  	_ =	shalt  }
0x85: {  	_ =	shalt  }
0x86: {  	_ =	shalt  }
0x87: {  	_ =	shalt  }
.Lfunc_end0:
.L_simem_size_0:
called_computation_lowered:
.L_overlay_start_0:
0x88: {  	s2 =	sld [smem:$0x3FD9]  }
0x89: {  	s3 =	sld [smem:$0x3FFE];
	_ =	sdelay $0x1  }
0x8a: {  	s1 =	srdreg.scid  }
0x8b: {  	s0 =	sand.u32 $0x1, s1  }
0x8c: {  	s16 =	sshll.u32 s0, $0xA;
	s2 =	sadd.s32 s3, s2  }
0x8d: {  	s2 =	sadd.s32 s2, s16  }
0x8e: {  	[smem:$0x3FC6] =	sst s2  }
0x8f: {  	_ = 	snop  }
0x90: {  	(tm) =	ssettm $0x1  }
0x91: {  	s17 =	sld [smem:$0x3FFB];
	_ =	sdelay $0x3  }
0x92: {  	_ =	strace s17  }
0x93: {  	s2 =	sld [smem:$0x3FFC];
	_ =	sdelay $0x3  }
0x94: {  	_ =	strace s2  }
0x95: {  	s2 =	sld [smem:$0x3FFD];
	_ =	sdelay $0x3  }
0x96: {  	_ =	strace s2  }
0x97: {  	_ =	strace $0x8FFFFFFF  }
0x98: {  	s18 =	sld [smem:$0x3FDB];
	_ =	sdelay $0x1  }
0x99: {  	s19 =	simm.s32 $_scs_section_size  }
0x9a: {  	s4 =	simm.s32 $_size__tile_overlayer_lowered;
	s5 =	simm.s32 $_tile_overlayer_lowered  }
0x9b: {  	s22 =	simm.s32 $0x1BFF;
	s21 =	sshll.u32 s5, $0x1;
	s2 =	sadd.s32 s19, s18  }
0x9c: {  	s6 =	simm.s32 $0x0;
	s20 =	sshll.u32 s4, $0x1;
	s4 =	sadd.s32 s21, s2  }
0x9d: {  	[timem:s6], [sflag:s22] =	dma.local [hbm:s4], s20  }
0x9e: {  	_ =	swait.ge [sflag:s22], s20  }
0x9f: {  	s3 =	ssub.s32 $0x0, s20;
	[sflag:s22] =	ssyncset.done $0x0  }
0xa0: {  	[sflag:s22] =	ssyncadd.s32 s3;
	_ =	sdelay $0x1  }
0xa1: {  	s23 =	simm.s32 $0x1B8B  }
0xa2: {  	_ =	swait.ge [sflag:s23], $0x1  }
0xa3: {  	[sflag:s23] =	ssyncset.done $0x0  }
0xa4: {  	s25 =	simm.s32 $0x1B8E;
	s24 =	sld [smem:$0x3FFE];
	[sflag:s23] =	ssyncadd.s32 $0xFFFFFFFF  }
0xa5: {  	s26 =	simm.s32 $execute0_lowered;
	[smem:$0x3FD2] =	sst s25  }
0xa6: {  	s4 =	sshll.u32 s26, $0x1;
	_ =	strace $0x80000046;
	[dreg:$0x1] =	wrdreg $0xFFFFFFFF  }
0xa7: {  	s28 =	simm.s32 $_size_execute0_lowered;
	s2 =	sadd.s32 s2, s4;
	[dreg:$0x0] =	wrdreg $0x0  }
0xa8: {  	s4 =	sshll.u32 s28, $0x1;
	[dreg:$0x2] =	wrdreg s2  }
0xa9: {  	[dreg:$0x3] =	wrdreg s4  }
0xaa: {  	[dreg:$0x4] =	wrdreg $0xC0  }
0xab: {  	_ =	task [dreg:s6], $0x5FFFF  }
0xac: {  	[dreg:$0x1] =	wrdreg $0xFFFFFFFF  }
0xad: {  	[dreg:$0x0] =	wrdreg $0x60  }
0xae: {  	[dreg:$0x2] =	wrdreg s24  }
0xaf: {  	[dreg:$0x3] =	wrdreg $0x9  }
0xb0: {  	_ =	task.clear_ibuf [dreg:s6], $0x4FFFF;
	_ =	strace $0x90000046  }
0xb1: {  	s29 =	simm.s32 $0x9;
	_ =	strace $0x80000048  }
0xb2: {  	_ =	swait.ge [sflag:s29], $0x1  }
0xb3: {  	[sflag:s29] =	ssyncadd.s32 $0xFFFFFFFF  }
0xb4: {  	_ =	strace $0x90000048  }
0xb5: {  	_ =	sfence  }
0xb6: {  	s30 =	sld [smem:$0x0];
	_ =	sdelay $0x2  }
0xb7: {  	s31 =	sshll.u32 s1, $0xD;
	s1 =	sshrl.u32 s1, $0x2  }
0xb8: {  	s3 =	sand.u32 $0x4000, s31;
	s1 =	sadd.s32 s1, s30  }
0xb9: {  	s0 =	sor.u32 s3, s0;
	s1 =	sshll.u32 s1, $0x11  }
0xba: {  	s0 =	sor.u32 s1, s0  }
0xbb: {  	s0 =	sadd.s32 $0x8F2B, s0  }
0xbc: {  	[sflag:s0] =	ssyncadd.remote.s32 $0x1  }
0xbd: {  	_ =	sfence.sel $0xFFFF  }
0xbe: {  	[dreg:$0x0] =	wrdreg $0xFFFFFFFF;
	(pc) =	sbr.abs _section_cstart, $3  }
0xbf: {  	[dreg:$0x1] =	wrdreg $0xFFFFFFFF  }
0xc0: {  	_ =	task.clear_ibuf [dreg:s6], $0x2FFFF;
	_ =	strace $0x9FFFFFFF  }
0xc1: {  	(tm) =	ssettm $0x7FFFFFFF  }
tec
execute0_lowered:
.L_overlay_start_1:
0x0: {  	(tag) =	ssettag $0x1  }
0x1: {  	s1 =	stileid.u32  }
0x2: {  	p0 =	sgt.u32 s1, $0x3  }
.Ltmp0:
0x3: {  	_ = 	snop;
	(pc) =	sbr.rel @p0 .LBB2_5-.Ltmp0, $4  }
0x4: {  	_ = 	snop  }
0x5: {  	s3 =	rddreg [dreg:$0x0];
	s2 =	simm.s32 $0x0  }
0x6: {  	[smem:$0x7FF] =	sst s2  }
0x7: {  	s0 =	rddreg [dreg:$0x1];
	_ =	strace $0x80000047  }
0x8: {  	s4 =	srdreg.scid  }
0x9: {  	s4 =	sand.u32 $0x1, s4  }
0xa: {  	s5 =	sshll.u32 s1, $0x5;
	s6 =	sshll.u32 s4, $0x4  }
0xb: {  	s7 =	sadd.s32 $0x400, s3;
	s4 =	ssub.s32 $0x2, s4;
	s5 =	sor.u32 s6, s5  }
0xc: {  	s8 =	simm.s32 $0x80;
	s30 =	sshrl.u32 s4, $0x1;
	s31 =	sadd.s32 s5, s3  }
0xd: {  	s6 =	ssub.s32 s4, s30;
	s4 =	sadd.s32 s7, s5;
	s7 =	simm.s32 $0x400  }
0xe: {  	v0 =	vimm.f32 $0.0e+00;
	vm0 =	vmmov $0x1;
	v1 =	vlaneseq.u32;
	s3 =	sadd.s32 $0x600, s31;
	s5 =	smax.u32 s6, $0x1;
	s6 =	simm.s32 $0x1  }
.LBB2_2:
0xf: {  	s9 =	simm.s32 $0x0  }
0x10: {  	[tilespmem:s9], [sflag:$0x1] =	stream.linear.gather [hbm4b:s4+s9], $0x80, $0x38;
	[tilespmem:$0x8C80] =	vst v63  }
0x11: {  	_ =	swait.ge [sflag:s6], $0x80  }
0x12: {  	[sflag:s6] =	ssyncset.done $0x0  }
0x13: {  	s10 =	simm.s32 $0x200;
	s9 =	simm.s32 $0x0;
	[sflag:s6] =	ssyncadd.s32 $0xFFFFFF80  }
.LBB2_3:
0x14: {  	p0 =	sne.s32 s10, $0x22E00;
	[tilespmem:s9+$0xF0] =	vst v0  }
0x15: {  	[tilespmem:s9+$0x80] =	vst v0  }
0x16: {  	[tilespmem:s9+$0x90] =	vst v0  }
.Ltmp1:
0x17: {  	[tilespmem:s9+$0xA0] =	vst v0;
	(pc) =	sbr.rel @p0 .LBB2_3-.Ltmp1, $4  }
0x18: {  	[tilespmem:s9+$0xB0] =	vst v0  }
0x19: {  	[tilespmem:s9+$0xC0] =	vst v0  }
0x1a: {  	[tilespmem:s9+$0xD0] =	vst v0  }
0x1b: {  	[tilespmem:s9+$0xE0] =	vst v0;
	s9 =	sshra.s32 s10, $0x2;
	s10 =	sadd.s32 $0x200, s10  }
0x1c: {  	[tilespmem:s9+$0xF0] =	vst v0  }
0x1d: {  	[tilespmem:s9+$0x80] =	vst v0  }
0x1e: {  	[tilespmem:s9+$0x90] =	vst v0  }
0x1f: {  	[tilespmem:s9+$0xA0] =	vst v0  }
0x20: {  	[tilespmem:s9+$0xB0] =	vst v0  }
0x21: {  	[tilespmem:s9+$0xC0] =	vst v0  }
0x22: {  	[tilespmem:s9+$0xD0] =	vst v0  }
0x23: {  	[tilespmem:s9+$0xE0] =	vst v0  }
0x24: {  	v2 =	vld [tilespmem:$0x10]  }
0x25: {  	v3 =	vld [tilespmem:$0x0];
	_ =	sdelay $0x3  }
0x26: {  	v5 =	vmul.f32 $5.200000000e+01, v2  }
0x27: {  	v4 =	vmul.f32 $5.200000000e+01, v3  }
0x28: {  	v2 =	vtrunc.f32 v5  }
0x29: {  	v3 =	vtrunc.f32 v4;
	v6 =	vcvt.f32.s32 v2  }
0x2a: {  	v7 =	vcvt.f32.s32 v3  }
0x2b: {  	v2 =	vshll.u32 v6, $0x7  }
0x2c: {  	v8 =	vadd.s32 v7, v2  }
0x2d: {  	(v2sf) =	vpush v8, $0x0;
	_ =	sdelay $0xa  }
0x2e: {  	(v2sf) =	vpush v8, $0x1;
	_ =	sdelay $0x2  }
0x2f: {  	v3 =	vld [tilespmem:$0x20]  }
0x30: {  	v2 =	vld [tilespmem:$0x30];
	s23 =	spop (v2sf)  }
0x31: {  	v9 =	vld [tilespmem:s23+$0x80]  }
0x32: {  	v7 =	vcvt.s32.f32 v7;
	v10 =	vld [tilespmem:s23+$0x1C80]  }
0x33: {  	v6 =	vcvt.s32.f32 v6;
	v11 =	vld [tilespmem:s23+$0x3880]  }
0x34: {  	v4 =	vsub.f32 v4, v7;
	v35 =	vld [tilespmem:s23+$0x5480]  }
0x35: {  	v5 =	vsub.f32 v5, v6;
	v36 =	vld [tilespmem:s23+$0x7080]  }
0x36: {  	v9 =	vsel vm0, v4, v9  }
0x37: {  	(v2sf) =	vpush v8, $0x2;
	v37 =	vsel vm0, v5, v10;
	[tilespmem:s23+$0x80] =	vst v9  }
0x38: {  	v38 =	vsel vm0, v3, v11;
	[tilespmem:s23+$0x1C80] =	vst v37  }
0x39: {  	vm1 =	veq.s32 v1, $0x0;
	v7 =	vsel vm0, v2, v35;
	[tilespmem:s23+$0x3880] =	vst v38  }
0x3a: {  	v6 =	vsel vm1, $0x3F800000, v36;
	[tilespmem:s23+$0x5480] =	vst v7  }
0x3b: {  	s24 =	spop (v2sf);
	[tilespmem:s23+$0x7080] =	vst v6  }
0x3c: {  	v6 =	vld [tilespmem:s24+$0x80]  }
0x3d: {  	v7 =	vld [tilespmem:s24+$0x1C80]  }
0x3e: {  	v9 =	vld [tilespmem:s24+$0x3880]  }
0x3f: {  	v39 =	vbroadcast v4, $0x1;
	v40 =	vld [tilespmem:s24+$0x5480]  }
0x40: {  	v12 =	vbroadcast v5, $0x1;
	v13 =	vld [tilespmem:s24+$0x7080]  }
0x41: {  	v41 =	vbroadcast v3, $0x1;
	v6 =	vsel vm0, v39, v6  }
0x42: {  	v43 =	vbroadcast v2, $0x1;
	(v2sf) =	vpush v8, $0x3;
	v42 =	vsel vm0, v12, v7;
	[tilespmem:s24+$0x80] =	vst v6  }
0x43: {  	v44 =	vsel vm0, v41, v9;
	[tilespmem:s24+$0x1C80] =	vst v42  }
0x44: {  	v45 =	vsel vm0, v43, v40;
	[tilespmem:s24+$0x3880] =	vst v44  }
0x45: {  	v46 =	vsel vm1, $0x3F800000, v13;
	[tilespmem:s24+$0x5480] =	vst v45  }
0x46: {  	[tilespmem:s24+$0x7080] =	vst v46;
	s25 =	spop (v2sf)  }
0x47: {  	v6 =	vld [tilespmem:s25+$0x80]  }
0x48: {  	v47 =	vld [tilespmem:s25+$0x1C80]  }
0x49: {  	v48 =	vld [tilespmem:s25+$0x3880]  }
0x4a: {  	v49 =	vbroadcast v4, $0x2;
	v50 =	vld [tilespmem:s25+$0x5480]  }
0x4b: {  	v51 =	vbroadcast v5, $0x2;
	v52 =	vld [tilespmem:s25+$0x7080]  }
0x4c: {  	v53 =	vbroadcast v3, $0x2;
	v6 =	vsel vm0, v49, v6  }
0x4d: {  	v55 =	vbroadcast v2, $0x2;
	(v2sf) =	vpush v8, $0x4;
	v54 =	vsel vm0, v51, v47;
	[tilespmem:s25+$0x80] =	vst v6  }
0x4e: {  	v56 =	vsel vm0, v53, v48;
	[tilespmem:s25+$0x1C80] =	vst v54  }
0x4f: {  	v57 =	vsel vm0, v55, v50;
	[tilespmem:s25+$0x3880] =	vst v56  }
0x50: {  	v58 =	vsel vm1, $0x3F800000, v52;
	[tilespmem:s25+$0x5480] =	vst v57  }
0x51: {  	s26 =	spop (v2sf);
	[tilespmem:s25+$0x7080] =	vst v58  }
0x52: {  	v6 =	vld [tilespmem:s26+$0x80]  }
0x53: {  	v59 =	vld [tilespmem:s26+$0x1C80]  }
0x54: {  	v60 =	vld [tilespmem:s26+$0x3880]  }
0x55: {  	v61 =	vbroadcast v4, $0x3;
	v62 =	vld [tilespmem:s26+$0x5480]  }
0x56: {  	v63 =	vbroadcast v5, $0x3;
	v16 =	vld [tilespmem:s26+$0x7080]  }
0x57: {  	v17 =	vbroadcast v3, $0x3;
	v6 =	vsel vm0, v61, v6  }
0x58: {  	v19 =	vbroadcast v2, $0x3;
	(v2sf) =	vpush v8, $0x5;
	v18 =	vsel vm0, v63, v59;
	[tilespmem:s26+$0x80] =	vst v6  }
0x59: {  	v20 =	vsel vm0, v17, v60;
	[tilespmem:s26+$0x1C80] =	vst v18  }
0x5a: {  	v21 =	vsel vm0, v19, v62;
	[tilespmem:s26+$0x3880] =	vst v20  }
0x5b: {  	v22 =	vsel vm1, $0x3F800000, v16;
	[tilespmem:s26+$0x5480] =	vst v21  }
0x5c: {  	[tilespmem:s26+$0x7080] =	vst v22;
	s28 =	spop (v2sf)  }
0x5d: {  	v6 =	vld [tilespmem:s28+$0x80]  }
0x5e: {  	v23 =	vld [tilespmem:s28+$0x1C80]  }
0x5f: {  	v24 =	vld [tilespmem:s28+$0x3880]  }
0x60: {  	v25 =	vbroadcast v4, $0x4;
	v26 =	vld [tilespmem:s28+$0x5480]  }
0x61: {  	v27 =	vbroadcast v5, $0x4;
	v28 =	vld [tilespmem:s28+$0x7080]  }
0x62: {  	v29 =	vbroadcast v3, $0x4;
	v6 =	vsel vm0, v25, v6  }
0x63: {  	v31 =	vbroadcast v2, $0x4;
	(v2sf) =	vpush v8, $0x6;
	v30 =	vsel vm0, v27, v23;
	[tilespmem:s28+$0x80] =	vst v6  }
0x64: {  	v32 =	vsel vm0, v29, v24;
	[tilespmem:s28+$0x1C80] =	vst v30  }
0x65: {  	v33 =	vsel vm0, v31, v26;
	[tilespmem:s28+$0x3880] =	vst v32  }
0x66: {  	v34 =	vsel vm1, $0x3F800000, v28;
	[tilespmem:s28+$0x5480] =	vst v33  }
0x67: {  	s29 =	spop (v2sf);
	[tilespmem:s28+$0x7080] =	vst v34  }
0x68: {  	v6 =	vld [tilespmem:s29+$0x80]  }
0x69: {  	v35 =	vld [tilespmem:s29+$0x1C80]  }
0x6a: {  	v36 =	vld [tilespmem:s29+$0x3880]  }
0x6b: {  	v37 =	vbroadcast v4, $0x5;
	v38 =	vld [tilespmem:s29+$0x5480]  }
0x6c: {  	v39 =	vbroadcast v5, $0x5;
	v40 =	vld [tilespmem:s29+$0x7080]  }
0x6d: {  	v41 =	vbroadcast v3, $0x5;
	v6 =	vsel vm0, v37, v6  }
0x6e: {  	v43 =	vbroadcast v2, $0x5;
	(v2sf) =	vpush v8, $0x7;
	v42 =	vsel vm0, v39, v35;
	[tilespmem:s29+$0x80] =	vst v6  }
0x6f: {  	v44 =	vsel vm0, v41, v36;
	[tilespmem:s29+$0x1C80] =	vst v42  }
0x70: {  	v45 =	vsel vm0, v43, v38;
	[tilespmem:s29+$0x3880] =	vst v44  }
0x71: {  	v46 =	vsel vm1, $0x3F800000, v40;
	[tilespmem:s29+$0x5480] =	vst v45  }
0x72: {  	[tilespmem:s29+$0x7080] =	vst v46;
	s30 =	spop (v2sf)  }
0x73: {  	v6 =	vld [tilespmem:s30+$0x80]  }
0x74: {  	v47 =	vld [tilespmem:s30+$0x1C80]  }
0x75: {  	v48 =	vld [tilespmem:s30+$0x3880]  }
0x76: {  	v49 =	vbroadcast v4, $0x6;
	v50 =	vld [tilespmem:s30+$0x5480]  }
0x77: {  	v51 =	vbroadcast v5, $0x6;
	v52 =	vld [tilespmem:s30+$0x7080]  }
0x78: {  	v53 =	vbroadcast v3, $0x6;
	v6 =	vsel vm0, v49, v6  }
0x79: {  	v55 =	vbroadcast v2, $0x6;
	v54 =	vsel vm0, v51, v47;
	[tilespmem:s30+$0x80] =	vst v6  }
0x7a: {  	v56 =	vsel vm0, v53, v48;
	[tilespmem:s30+$0x1C80] =	vst v54  }
0x7b: {  	v57 =	vsel vm0, v55, v50;
	[tilespmem:s30+$0x3880] =	vst v56  }
0x7c: {  	v58 =	vsel vm1, $0x3F800000, v52;
	[tilespmem:s30+$0x5480] =	vst v57  }
0x7d: {  	s31 =	spop (v2sf);
	[tilespmem:s30+$0x7080] =	vst v58  }
0x7e: {  	v6 =	vld [tilespmem:s31+$0x80]  }
0x7f: {  	v59 =	vld [tilespmem:s31+$0x1C80]  }
0x80: {  	v60 =	vld [tilespmem:s31+$0x3880]  }
0x81: {  	v4 =	vbroadcast v4, $0x7;
	v61 =	vld [tilespmem:s31+$0x5480]  }
0x82: {  	v5 =	vbroadcast v5, $0x7;
	v62 =	vld [tilespmem:s31+$0x7080]  }
0x83: {  	v3 =	vbroadcast v3, $0x7;
	v4 =	vsel vm0, v4, v6  }
0x84: {  	v2 =	vbroadcast v2, $0x7;
	v63 =	vsel vm0, v5, v59;
	[tilespmem:s31+$0x80] =	vst v4  }
0x85: {  	v3 =	vsel vm0, v3, v60;
	[tilespmem:s31+$0x1C80] =	vst v63  }
0x86: {  	s2 =	sadd.s32 $0x1, s2;
	v2 =	vsel vm0, v2, v61;
	[tilespmem:s31+$0x3880] =	vst v3  }
0x87: {  	p0 =	sne.s32 s2, s5;
	[tilespmem:s31+$0x5480] =	vst v2;
	v2 =	vsel vm1, $0x3F800000, v62  }
.Ltmp2:
0x88: {  	[tilespmem:s31+$0x7080] =	vst v2;
	(pc) =	sbr.rel @p0 .LBB2_2-.Ltmp2, $4  }
0x89: {  	[hbm4b:s3+s8] =	stream.strided.scatter [tilespmem:s8], [sflag:$0x1], $0x8C00, s7, s8, $0x38;
	[tilespmem:$0x8C80] =	vst v63  }
0x8a: {  	_ =	swait.ge [sflag:s6], $0x8C00  }
0x8b: {  	[sflag:s6] =	ssyncset.done $0x0  }
0x8c: {  	[sflag:s6] =	ssyncadd.s32 $0xFFFF7400  }
.LBB2_5:
0x8d: {  	_ =	sfence.sel $0x180000  }
0x8e: {  	[bflag:$0x0] =	sbarrier.arrive $0xFFFF  }
0x8f: {  	p0 =	sne.s32 s1, $0x0;
	_ =	strace $0x90000047  }
0x90: {  	s0 =	sadd.s32 @!p0 $0x100000, s0;
	[bflag:$0x2] =	sbarrier.arrive $0xFFFF  }
0x91: {  	[sflag:s0] =	ssyncadd.tile.s32 @!p0 $0x1;
	_ =	shalt  }
.Lfunc_end2:
_tile_overlayer_lowered:
.L_overlay_start_2:
0x92: {  	(tag) =	ssettag $0x2  }
0x93: {  	s0 =	rddreg [dreg:$0x0];
	s2 =	stileid.u32  }
0x94: {  	s1 =	rddreg [dreg:$0x1];
	p0 =	sne.s32 s2, $0x0  }
0x95: {  	s3 =	rddreg [dreg:$0x2];
	[bflag:$0x3] =	sbarrier.arrive $0xFFFF;
	s2 =	simm.s32 @!p0 $0x1C01  }
0x96: {  	[timem:s3], [sflag:s2] =	dma.local @!p0 [hbm:s0], s1  }
0x97: {  	s0 =	simm.s32 @!p0 $0x1  }
0x98: {  	_ =	swait.ge @!p0 [sflag:s0], s1  }
0x99: {  	s1 =	ssub.s32 @!p0 $0x0, s1;
	[sflag:s0] =	ssyncset.done @!p0 $0x0  }
0x9a: {  	[sflag:s0] =	ssyncadd.s32 @!p0 s1  }
0x9b: {  	[bflag:$0x3] =	sbarrier.arrive $0xFFFF  }
0x9c: {  	_ =	shalt  }

</sc_bundles>
